<compile_context>
chip_gen: v7x
topology: tpu7x:2x2x1
jax: 0.10.2.dev20260603
libtpu: 0.0.44.dev20260713+nightly
codegen_flags: <defaults>
</compile_context>

<pallas_src>
import functools

import jax
from jax import lax
from jax.experimental import pallas as pl
from jax.experimental.pallas import tpu as pltpu
from jax.experimental.pallas import tpu_sc as plsc

_NUM_WORKERS = 32


def kernel(x, pe_table):
    b, size, dx = x.shape
    dim = pe_table.shape[-1]
    rows = size // _NUM_WORKERS
    mesh = plsc.VectorSubcoreMesh(core_axis_name="c", subcore_axis_name="s")

    @functools.partial(
        pl.kernel,
        mesh=mesh,
        out_type=jax.ShapeDtypeStruct((b, size, dx + dim), x.dtype),
        scratch_types=[
            pltpu.MemorySpace.VMEM((rows, dim), x.dtype),
            pltpu.MemorySpace.VMEM((2, rows, dx), x.dtype),
            pltpu.SemaphoreType.DMA,
            pltpu.SemaphoreType.DMA((2,)),
            pltpu.SemaphoreType.DMA((2,)),
            pltpu.SemaphoreType.DMA,
        ],
    )
    def run(x_hbm, pe_hbm, out_hbm, pebuf, xbuf, sem_pe, sem_xl, sem_xs, sem_ps):
        wid = lax.axis_index("s") * 2 + lax.axis_index("c")
        s0 = wid * rows
        pe_load = pltpu.make_async_copy(pe_hbm.at[pl.ds(s0, rows), :], pebuf, sem_pe)
        pe_load.start()
        x_loads = [
            pltpu.make_async_copy(
                x_hbm.at[bb, pl.ds(s0, rows), :], xbuf.at[bb % 2], sem_xl.at[bb % 2]
            )
            for bb in range(b)
        ]
        x_stores = [
            pltpu.make_async_copy(
                xbuf.at[bb % 2],
                out_hbm.at[bb, pl.ds(s0, rows), pl.ds(0, dx)],
                sem_xs.at[bb % 2],
            )
            for bb in range(b)
        ]
        pe_stores = [
            pltpu.make_async_copy(
                pebuf, out_hbm.at[bb, pl.ds(s0, rows), pl.ds(dx, dim)], sem_ps
            )
            for bb in range(b)
        ]
        x_loads[0].start()
        if b > 1:
            x_loads[1].start()
        pe_load.wait()
        for st in pe_stores:
            st.start()
        for bb in range(b):
            x_loads[bb].wait()
            x_stores[bb].start()
            if bb + 2 < b:
                x_stores[bb].wait()
                x_loads[bb + 2].start()
        for bb in range(max(0, b - 2), b):
            x_stores[bb].wait()
        for bb in range(b):
            pe_stores[bb].wait()

    return run(x, pe_table)

# --- scband reference (transcript-rebuilt; emitter-appended) ---
"""Pipeline reference for scband-pos-embed-5497558139662 (READ-ONLY COPY).

The authoritative reference and input builder live on the scoring server;
editing this copy changes nothing except your own understanding.
"""

import jax, jax.numpy as jnp
import numpy as np

SIZE = 4096
DIM = 256
B = 4
DX = 256

def setup_inputs(seed: int = 0) -> dict:
    key = jax.random.key(seed)
    k1, k2 = jax.random.split(key)
    x = jax.random.normal(k1, (B, SIZE, DX), dtype=jnp.float32)
    # nn.Embedding default init: N(0,1)
    pe_table = jax.random.normal(k2, (SIZE, DIM), dtype=jnp.float32)
    return {"x": x, "pe_table": pe_table}

def reference(x, pe_table):
    b = x.shape[0]
    pos_ids = jnp.arange(SIZE, dtype=jnp.int32)
    pos_ids = jnp.broadcast_to(pos_ids[None, :], (b, SIZE))  # einops.repeat 'n -> b n'
    pe = jnp.take(pe_table, pos_ids, axis=0)  # [b, size, dim]
    embeddings = jnp.concatenate([x, pe], axis=-1)
    return embeddings

if __name__ == "__main__":
    import jax
    _d = setup_inputs()
    print(jax.jit(kernel)(*tuple(_d.values())))

</pallas_src>

<mosaic_0001>
#map = affine_map<(d0, d1) -> (0, 0, 0)>
#map1 = affine_map<(d0, d1) -> (0, 0)>
module attributes {stable_mosaic.version = 14 : i64} {
  func.func @run(%arg0: i32, %arg1: i32, %arg2: memref<4x4096x256xf32, #tpu.memory_space<hbm>>, %arg3: memref<4096x256xf32, #tpu.memory_space<hbm>>, %arg4: memref<4x4096x512xf32, #tpu.memory_space<hbm>>, %arg5: memref<128x256xf32, #tpu.memory_space<vmem>>, %arg6: memref<2x128x256xf32, #tpu.memory_space<vmem>>, %arg7: memref<!tpu.dma_semaphore, #tpu.memory_space<semaphore_mem>>, %arg8: memref<2x!tpu.dma_semaphore, #tpu.memory_space<semaphore_mem>>, %arg9: memref<2x!tpu.dma_semaphore, #tpu.memory_space<semaphore_mem>>, %arg10: memref<!tpu.dma_semaphore, #tpu.memory_space<semaphore_mem>>) attributes {dimension_semantics = [#tpu.dimension_semantics<core_parallel>, #tpu.dimension_semantics<subcore_parallel>], iteration_bounds = array<i64: 2, 16>, scalar_prefetch = 0 : i64, scratch_operands = 6 : i64, tpu.core_type = #tpu.core_type<sc_vector_subcore>, window_params = [{transform_indices = #map}, {transform_indices = #map1}, {transform_indices = #map}]} {
    %mul3A = arith.constant 2 : i32
    %mul3A_0 = arith.muli %arg1, %mul3A : i32
    %add3A = arith.addi %mul3A_0, %arg0 : i32
    %mul3A_1 = arith.constant 128 : i32
    %mul3A_2 = arith.muli %add3A, %mul3A_1 : i32
    %dma_start3A = arith.constant 0 : i32
    %dma_start3A_3 = tpu.memref_slice %arg3[%mul3A_2, %dma_start3A] : memref<4096x256xf32, #tpu.memory_space<hbm>> -> memref<128x256xf32, #tpu.memory_space<hbm>>
    %dma_start3A_4 = arith.constant 0 : i32
    %dma_start3A_5 = tpu.memref_slice %arg3[%mul3A_2, %dma_start3A_4] : memref<4096x256xf32, #tpu.memory_space<hbm>> -> memref<128x256xf32, #tpu.memory_space<hbm>>
    tpu.enqueue_dma source(%dma_start3A_5 : memref<128x256xf32, #tpu.memory_space<hbm>>) target(%arg5 : memref<128x256xf32, #tpu.memory_space<vmem>>) target_semaphore(%arg7 : memref<!tpu.dma_semaphore, #tpu.memory_space<semaphore_mem>>)
    %dma_start3A_6 = arith.constant 0 : i32
    %dma_start3A_7 = arith.constant 0 : i32
    %dma_start3A_8 = arith.constant 0 : i32
    %dma_start3A_9 = arith.constant 0 : i32
    %dma_start3A_10 = arith.constant 0 : i32
    %dma_start3A_11 = tpu.memref_slice %arg6[%dma_start3A_7, %dma_start3A_9, %dma_start3A_10] : memref<2x128x256xf32, #tpu.memory_space<vmem>> -> memref<1x128x256xf32, #tpu.memory_space<vmem>>
    %dma_start3A_12 = tpu.memref_squeeze %dma_start3A_11 : memref<1x128x256xf32, #tpu.memory_space<vmem>> -> memref<128x256xf32, #tpu.memory_space<vmem>>
    %dma_start3A_13 = arith.constant 0 : i32
    %dma_start3A_14 = tpu.memref_slice %arg2[%dma_start3A_6, %mul3A_2, %dma_start3A_13] : memref<4x4096x256xf32, #tpu.memory_space<hbm>> -> memref<1x128x256xf32, #tpu.memory_space<hbm>>
    %dma_start3A_15 = tpu.memref_squeeze %dma_start3A_14 : memref<1x128x256xf32, #tpu.memory_space<hbm>> -> memref<128x256xf32, #tpu.memory_space<hbm>>
    %dma_start3A_16 = tpu.memref_slice %arg8[%dma_start3A_8] : memref<2x!tpu.dma_semaphore, #tpu.memory_space<semaphore_mem>> -> memref<1x!tpu.dma_semaphore, #tpu.memory_space<semaphore_mem>>
    %dma_start3A_17 = tpu.memref_squeeze %dma_start3A_16 : memref<1x!tpu.dma_semaphore, #tpu.memory_space<semaphore_mem>> -> memref<!tpu.dma_semaphore, #tpu.memory_space<semaphore_mem>>
    %dma_start3A_18 = arith.constant 0 : i32
    %dma_start3A_19 = arith.constant 0 : i32
    %dma_start3A_20 = tpu.memref_slice %arg6[%dma_start3A_7, %dma_start3A_18, %dma_start3A_19] : memref<2x128x256xf32, #tpu.memory_space<vmem>> -> memref<1x128x256xf32, #tpu.memory_space<vmem>>
    %dma_start3A_21 = tpu.memref_squeeze %dma_start3A_20 : memref<1x128x256xf32, #tpu.memory_space<vmem>> -> memref<128x256xf32, #tpu.memory_space<vmem>>
    %dma_start3A_22 = arith.constant 0 : i32
    %dma_start3A_23 = tpu.memref_slice %arg2[%dma_start3A_6, %mul3A_2, %dma_start3A_22] : memref<4x4096x256xf32, #tpu.memory_space<hbm>> -> memref<1x128x256xf32, #tpu.memory_space<hbm>>
    %dma_start3A_24 = tpu.memref_squeeze %dma_start3A_23 : memref<1x128x256xf32, #tpu.memory_space<hbm>> -> memref<128x256xf32, #tpu.memory_space<hbm>>
    tpu.enqueue_dma source(%dma_start3A_24 : memref<128x256xf32, #tpu.memory_space<hbm>>) target(%dma_start3A_21 : memref<128x256xf32, #tpu.memory_space<vmem>>) target_semaphore(%dma_start3A_17 : memref<!tpu.dma_semaphore, #tpu.memory_space<semaphore_mem>>)
    %dma_start3A_25 = arith.constant 1 : i32
    %dma_start3A_26 = arith.constant 1 : i32
    %dma_start3A_27 = arith.constant 1 : i32
    %dma_start3A_28 = arith.constant 0 : i32
    %dma_start3A_29 = arith.constant 0 : i32
    %dma_start3A_30 = tpu.memref_slice %arg6[%dma_start3A_26, %dma_start3A_28, %dma_start3A_29] : memref<2x128x256xf32, #tpu.memory_space<vmem>> -> memref<1x128x256xf32, #tpu.memory_space<vmem>>
    %dma_start3A_31 = tpu.memref_squeeze %dma_start3A_30 : memref<1x128x256xf32, #tpu.memory_space<vmem>> -> memref<128x256xf32, #tpu.memory_space<vmem>>
    %dma_start3A_32 = arith.constant 0 : i32
    %dma_start3A_33 = tpu.memref_slice %arg2[%dma_start3A_25, %mul3A_2, %dma_start3A_32] : memref<4x4096x256xf32, #tpu.memory_space<hbm>> -> memref<1x128x256xf32, #tpu.memory_space<hbm>>
    %dma_start3A_34 = tpu.memref_squeeze %dma_start3A_33 : memref<1x128x256xf32, #tpu.memory_space<hbm>> -> memref<128x256xf32, #tpu.memory_space<hbm>>
    %dma_start3A_35 = tpu.memref_slice %arg8[%dma_start3A_27] : memref<2x!tpu.dma_semaphore, #tpu.memory_space<semaphore_mem>> -> memref<1x!tpu.dma_semaphore, #tpu.memory_space<semaphore_mem>>
    %dma_start3A_36 = tpu.memref_squeeze %dma_start3A_35 : memref<1x!tpu.dma_semaphore, #tpu.memory_space<semaphore_mem>> -> memref<!tpu.dma_semaphore, #tpu.memory_space<semaphore_mem>>
    %dma_start3A_37 = arith.constant 0 : i32
    %dma_start3A_38 = arith.constant 0 : i32
    %dma_start3A_39 = tpu.memref_slice %arg6[%dma_start3A_26, %dma_start3A_37, %dma_start3A_38] : memref<2x128x256xf32, #tpu.memory_space<vmem>> -> memref<1x128x256xf32, #tpu.memory_space<vmem>>
    %dma_start3A_40 = tpu.memref_squeeze %dma_start3A_39 : memref<1x128x256xf32, #tpu.memory_space<vmem>> -> memref<128x256xf32, #tpu.memory_space<vmem>>
    %dma_start3A_41 = arith.constant 0 : i32
    %dma_start3A_42 = tpu.memref_slice %arg2[%dma_start3A_25, %mul3A_2, %dma_start3A_41] : memref<4x4096x256xf32, #tpu.memory_space<hbm>> -> memref<1x128x256xf32, #tpu.memory_space<hbm>>
    %dma_start3A_43 = tpu.memref_squeeze %dma_start3A_42 : memref<1x128x256xf32, #tpu.memory_space<hbm>> -> memref<128x256xf32, #tpu.memory_space<hbm>>
    tpu.enqueue_dma source(%dma_start3A_43 : memref<128x256xf32, #tpu.memory_space<hbm>>) target(%dma_start3A_40 : memref<128x256xf32, #tpu.memory_space<vmem>>) target_semaphore(%dma_start3A_36 : memref<!tpu.dma_semaphore, #tpu.memory_space<semaphore_mem>>)
    %dma_wait3A = arith.constant 0 : i32
    %dma_wait3A_44 = tpu.memref_slice %arg3[%mul3A_2, %dma_wait3A] : memref<4096x256xf32, #tpu.memory_space<hbm>> -> memref<128x256xf32, #tpu.memory_space<hbm>>
    %dma_wait3A_45 = arith.constant 0 : i32
    %dma_wait3A_46 = tpu.memref_slice %arg3[%mul3A_2, %dma_wait3A_45] : memref<4096x256xf32, #tpu.memory_space<hbm>> -> memref<128x256xf32, #tpu.memory_space<hbm>>
    tpu.wait_dma2 semaphore(%arg7 : memref<!tpu.dma_semaphore, #tpu.memory_space<semaphore_mem>>) src(%dma_wait3A_46 : memref<128x256xf32, #tpu.memory_space<hbm>>) dst(%arg5 : memref<128x256xf32, #tpu.memory_space<vmem>>)
    %dma_start3A_47 = arith.constant 0 : i32
    %dma_start3A_48 = arith.constant 256 : i32
    %dma_start3A_49 = tpu.memref_slice %arg4[%dma_start3A_47, %mul3A_2, %dma_start3A_48] : memref<4x4096x512xf32, #tpu.memory_space<hbm>> -> memref<1x128x256xf32, #tpu.memory_space<hbm>>
    %dma_start3A_50 = tpu.memref_squeeze %dma_start3A_49 : memref<1x128x256xf32, #tpu.memory_space<hbm>> -> memref<128x256xf32, #tpu.memory_space<hbm>>
    %dma_start3A_51 = arith.constant 256 : i32
    %dma_start3A_52 = tpu.memref_slice %arg4[%dma_start3A_47, %mul3A_2, %dma_start3A_51] : memref<4x4096x512xf32, #tpu.memory_space<hbm>> -> memref<1x128x256xf32, #tpu.memory_space<hbm>>
    %dma_start3A_53 = tpu.memref_squeeze %dma_start3A_52 : memref<1x128x256xf32, #tpu.memory_space<hbm>> -> memref<128x256xf32, #tpu.memory_space<hbm>>
    tpu.enqueue_dma source(%arg5 : memref<128x256xf32, #tpu.memory_space<vmem>>) target(%dma_start3A_53 : memref<128x256xf32, #tpu.memory_space<hbm>>) target_semaphore(%arg10 : memref<!tpu.dma_semaphore, #tpu.memory_space<semaphore_mem>>)
    %dma_start3A_54 = arith.constant 1 : i32
    %dma_start3A_55 = arith.constant 256 : i32
    %dma_start3A_56 = tpu.memref_slice %arg4[%dma_start3A_54, %mul3A_2, %dma_start3A_55] : memref<4x4096x512xf32, #tpu.memory_space<hbm>> -> memref<1x128x256xf32, #tpu.memory_space<hbm>>
    %dma_start3A_57 = tpu.memref_squeeze %dma_start3A_56 : memref<1x128x256xf32, #tpu.memory_space<hbm>> -> memref<128x256xf32, #tpu.memory_space<hbm>>
    %dma_start3A_58 = arith.constant 256 : i32
    %dma_start3A_59 = tpu.memref_slice %arg4[%dma_start3A_54, %mul3A_2, %dma_start3A_58] : memref<4x4096x512xf32, #tpu.memory_space<hbm>> -> memref<1x128x256xf32, #tpu.memory_space<hbm>>
    %dma_start3A_60 = tpu.memref_squeeze %dma_start3A_59 : memref<1x128x256xf32, #tpu.memory_space<hbm>> -> memref<128x256xf32, #tpu.memory_space<hbm>>
    tpu.enqueue_dma source(%arg5 : memref<128x256xf32, #tpu.memory_space<vmem>>) target(%dma_start3A_60 : memref<128x256xf32, #tpu.memory_space<hbm>>) target_semaphore(%arg10 : memref<!tpu.dma_semaphore, #tpu.memory_space<semaphore_mem>>)
    %dma_start3A_61 = arith.constant 2 : i32
    %dma_start3A_62 = arith.constant 256 : i32
    %dma_start3A_63 = tpu.memref_slice %arg4[%dma_start3A_61, %mul3A_2, %dma_start3A_62] : memref<4x4096x512xf32, #tpu.memory_space<hbm>> -> memref<1x128x256xf32, #tpu.memory_space<hbm>>
    %dma_start3A_64 = tpu.memref_squeeze %dma_start3A_63 : memref<1x128x256xf32, #tpu.memory_space<hbm>> -> memref<128x256xf32, #tpu.memory_space<hbm>>
    %dma_start3A_65 = arith.constant 256 : i32
    %dma_start3A_66 = tpu.memref_slice %arg4[%dma_start3A_61, %mul3A_2, %dma_start3A_65] : memref<4x4096x512xf32, #tpu.memory_space<hbm>> -> memref<1x128x256xf32, #tpu.memory_space<hbm>>
    %dma_start3A_67 = tpu.memref_squeeze %dma_start3A_66 : memref<1x128x256xf32, #tpu.memory_space<hbm>> -> memref<128x256xf32, #tpu.memory_space<hbm>>
    tpu.enqueue_dma source(%arg5 : memref<128x256xf32, #tpu.memory_space<vmem>>) target(%dma_start3A_67 : memref<128x256xf32, #tpu.memory_space<hbm>>) target_semaphore(%arg10 : memref<!tpu.dma_semaphore, #tpu.memory_space<semaphore_mem>>)
    %dma_start3A_68 = arith.constant 3 : i32
    %dma_start3A_69 = arith.constant 256 : i32
    %dma_start3A_70 = tpu.memref_slice %arg4[%dma_start3A_68, %mul3A_2, %dma_start3A_69] : memref<4x4096x512xf32, #tpu.memory_space<hbm>> -> memref<1x128x256xf32, #tpu.memory_space<hbm>>
    %dma_start3A_71 = tpu.memref_squeeze %dma_start3A_70 : memref<1x128x256xf32, #tpu.memory_space<hbm>> -> memref<128x256xf32, #tpu.memory_space<hbm>>
    %dma_start3A_72 = arith.constant 256 : i32
    %dma_start3A_73 = tpu.memref_slice %arg4[%dma_start3A_68, %mul3A_2, %dma_start3A_72] : memref<4x4096x512xf32, #tpu.memory_space<hbm>> -> memref<1x128x256xf32, #tpu.memory_space<hbm>>
    %dma_start3A_74 = tpu.memref_squeeze %dma_start3A_73 : memref<1x128x256xf32, #tpu.memory_space<hbm>> -> memref<128x256xf32, #tpu.memory_space<hbm>>
    tpu.enqueue_dma source(%arg5 : memref<128x256xf32, #tpu.memory_space<vmem>>) target(%dma_start3A_74 : memref<128x256xf32, #tpu.memory_space<hbm>>) target_semaphore(%arg10 : memref<!tpu.dma_semaphore, #tpu.memory_space<semaphore_mem>>)
    %dma_wait3A_75 = arith.constant 0 : i32
    %dma_wait3A_76 = arith.constant 0 : i32
    %dma_wait3A_77 = arith.constant 0 : i32
    %dma_wait3A_78 = arith.constant 0 : i32
    %dma_wait3A_79 = arith.constant 0 : i32
    %dma_wait3A_80 = tpu.memref_slice %arg6[%dma_wait3A_76, %dma_wait3A_78, %dma_wait3A_79] : memref<2x128x256xf32, #tpu.memory_space<vmem>> -> memref<1x128x256xf32, #tpu.memory_space<vmem>>
    %dma_wait3A_81 = tpu.memref_squeeze %dma_wait3A_80 : memref<1x128x256xf32, #tpu.memory_space<vmem>> -> memref<128x256xf32, #tpu.memory_space<vmem>>
    %dma_wait3A_82 = arith.constant 0 : i32
    %dma_wait3A_83 = tpu.memref_slice %arg2[%dma_wait3A_75, %mul3A_2, %dma_wait3A_82] : memref<4x4096x256xf32, #tpu.memory_space<hbm>> -> memref<1x128x256xf32, #tpu.memory_space<hbm>>
    %dma_wait3A_84 = tpu.memref_squeeze %dma_wait3A_83 : memref<1x128x256xf32, #tpu.memory_space<hbm>> -> memref<128x256xf32, #tpu.memory_space<hbm>>
    %dma_wait3A_85 = tpu.memref_slice %arg8[%dma_wait3A_77] : memref<2x!tpu.dma_semaphore, #tpu.memory_space<semaphore_mem>> -> memref<1x!tpu.dma_semaphore, #tpu.memory_space<semaphore_mem>>
    %dma_wait3A_86 = tpu.memref_squeeze %dma_wait3A_85 : memref<1x!tpu.dma_semaphore, #tpu.memory_space<semaphore_mem>> -> memref<!tpu.dma_semaphore, #tpu.memory_space<semaphore_mem>>
    %dma_wait3A_87 = arith.constant 0 : i32
    %dma_wait3A_88 = arith.constant 0 : i32
    %dma_wait3A_89 = tpu.memref_slice %arg6[%dma_wait3A_76, %dma_wait3A_87, %dma_wait3A_88] : memref<2x128x256xf32, #tpu.memory_space<vmem>> -> memref<1x128x256xf32, #tpu.memory_space<vmem>>
    %dma_wait3A_90 = tpu.memref_squeeze %dma_wait3A_89 : memref<1x128x256xf32, #tpu.memory_space<vmem>> -> memref<128x256xf32, #tpu.memory_space<vmem>>
    %dma_wait3A_91 = arith.constant 0 : i32
    %dma_wait3A_92 = tpu.memref_slice %arg2[%dma_wait3A_75, %mul3A_2, %dma_wait3A_91] : memref<4x4096x256xf32, #tpu.memory_space<hbm>> -> memref<1x128x256xf32, #tpu.memory_space<hbm>>
    %dma_wait3A_93 = tpu.memref_squeeze %dma_wait3A_92 : memref<1x128x256xf32, #tpu.memory_space<hbm>> -> memref<128x256xf32, #tpu.memory_space<hbm>>
    tpu.wait_dma2 semaphore(%dma_wait3A_86 : memref<!tpu.dma_semaphore, #tpu.memory_space<semaphore_mem>>) src(%dma_wait3A_93 : memref<128x256xf32, #tpu.memory_space<hbm>>) dst(%dma_wait3A_90 : memref<128x256xf32, #tpu.memory_space<vmem>>)
    %dma_start3A_94 = arith.constant 0 : i32
    %dma_start3A_95 = arith.constant 0 : i32
    %dma_start3A_96 = arith.constant 0 : i32
    %dma_start3A_97 = arith.constant 0 : i32
    %dma_start3A_98 = arith.constant 0 : i32
    %dma_start3A_99 = tpu.memref_slice %arg6[%dma_start3A_94, %dma_start3A_97, %dma_start3A_98] : memref<2x128x256xf32, #tpu.memory_space<vmem>> -> memref<1x128x256xf32, #tpu.memory_space<vmem>>
    %dma_start3A_100 = tpu.memref_squeeze %dma_start3A_99 : memref<1x128x256xf32, #tpu.memory_space<vmem>> -> memref<128x256xf32, #tpu.memory_space<vmem>>
    %dma_start3A_101 = arith.constant 0 : i32
    %dma_start3A_102 = tpu.memref_slice %arg4[%dma_start3A_95, %mul3A_2, %dma_start3A_101] : memref<4x4096x512xf32, #tpu.memory_space<hbm>> -> memref<1x128x256xf32, #tpu.memory_space<hbm>>
    %dma_start3A_103 = tpu.memref_squeeze %dma_start3A_102 : memref<1x128x256xf32, #tpu.memory_space<hbm>> -> memref<128x256xf32, #tpu.memory_space<hbm>>
    %dma_start3A_104 = tpu.memref_slice %arg9[%dma_start3A_96] : memref<2x!tpu.dma_semaphore, #tpu.memory_space<semaphore_mem>> -> memref<1x!tpu.dma_semaphore, #tpu.memory_space<semaphore_mem>>
    %dma_start3A_105 = tpu.memref_squeeze %dma_start3A_104 : memref<1x!tpu.dma_semaphore, #tpu.memory_space<semaphore_mem>> -> memref<!tpu.dma_semaphore, #tpu.memory_space<semaphore_mem>>
    %dma_start3A_106 = arith.constant 0 : i32
    %dma_start3A_107 = tpu.memref_slice %arg4[%dma_start3A_95, %mul3A_2, %dma_start3A_106] : memref<4x4096x512xf32, #tpu.memory_space<hbm>> -> memref<1x128x256xf32, #tpu.memory_space<hbm>>
    %dma_start3A_108 = tpu.memref_squeeze %dma_start3A_107 : memref<1x128x256xf32, #tpu.memory_space<hbm>> -> memref<128x256xf32, #tpu.memory_space<hbm>>
    %dma_start3A_109 = arith.constant 0 : i32
    %dma_start3A_110 = arith.constant 0 : i32
    %dma_start3A_111 = tpu.memref_slice %arg6[%dma_start3A_94, %dma_start3A_109, %dma_start3A_110] : memref<2x128x256xf32, #tpu.memory_space<vmem>> -> memref<1x128x256xf32, #tpu.memory_space<vmem>>
    %dma_start3A_112 = tpu.memref_squeeze %dma_start3A_111 : memref<1x128x256xf32, #tpu.memory_space<vmem>> -> memref<128x256xf32, #tpu.memory_space<vmem>>
    tpu.enqueue_dma source(%dma_start3A_112 : memref<128x256xf32, #tpu.memory_space<vmem>>) target(%dma_start3A_108 : memref<128x256xf32, #tpu.memory_space<hbm>>) target_semaphore(%dma_start3A_105 : memref<!tpu.dma_semaphore, #tpu.memory_space<semaphore_mem>>)
    %dma_wait3A_113 = arith.constant 0 : i32
    %dma_wait3A_114 = arith.constant 0 : i32
    %dma_wait3A_115 = arith.constant 0 : i32
    %dma_wait3A_116 = arith.constant 0 : i32
    %dma_wait3A_117 = arith.constant 0 : i32
    %dma_wait3A_118 = tpu.memref_slice %arg6[%dma_wait3A_113, %dma_wait3A_116, %dma_wait3A_117] : memref<2x128x256xf32, #tpu.memory_space<vmem>> -> memref<1x128x256xf32, #tpu.memory_space<vmem>>
    %dma_wait3A_119 = tpu.memref_squeeze %dma_wait3A_118 : memref<1x128x256xf32, #tpu.memory_space<vmem>> -> memref<128x256xf32, #tpu.memory_space<vmem>>
    %dma_wait3A_120 = arith.constant 0 : i32
    %dma_wait3A_121 = tpu.memref_slice %arg4[%dma_wait3A_114, %mul3A_2, %dma_wait3A_120] : memref<4x4096x512xf32, #tpu.memory_space<hbm>> -> memref<1x128x256xf32, #tpu.memory_space<hbm>>
    %dma_wait3A_122 = tpu.memref_squeeze %dma_wait3A_121 : memref<1x128x256xf32, #tpu.memory_space<hbm>> -> memref<128x256xf32, #tpu.memory_space<hbm>>
    %dma_wait3A_123 = tpu.memref_slice %arg9[%dma_wait3A_115] : memref<2x!tpu.dma_semaphore, #tpu.memory_space<semaphore_mem>> -> memref<1x!tpu.dma_semaphore, #tpu.memory_space<semaphore_mem>>
    %dma_wait3A_124 = tpu.memref_squeeze %dma_wait3A_123 : memref<1x!tpu.dma_semaphore, #tpu.memory_space<semaphore_mem>> -> memref<!tpu.dma_semaphore, #tpu.memory_space<semaphore_mem>>
    %dma_wait3A_125 = arith.constant 0 : i32
    %dma_wait3A_126 = tpu.memref_slice %arg4[%dma_wait3A_114, %mul3A_2, %dma_wait3A_125] : memref<4x4096x512xf32, #tpu.memory_space<hbm>> -> memref<1x128x256xf32, #tpu.memory_space<hbm>>
    %dma_wait3A_127 = tpu.memref_squeeze %dma_wait3A_126 : memref<1x128x256xf32, #tpu.memory_space<hbm>> -> memref<128x256xf32, #tpu.memory_space<hbm>>
    %dma_wait3A_128 = arith.constant 0 : i32
    %dma_wait3A_129 = arith.constant 0 : i32
    %dma_wait3A_130 = tpu.memref_slice %arg6[%dma_wait3A_113, %dma_wait3A_128, %dma_wait3A_129] : memref<2x128x256xf32, #tpu.memory_space<vmem>> -> memref<1x128x256xf32, #tpu.memory_space<vmem>>
    %dma_wait3A_131 = tpu.memref_squeeze %dma_wait3A_130 : memref<1x128x256xf32, #tpu.memory_space<vmem>> -> memref<128x256xf32, #tpu.memory_space<vmem>>
    tpu.wait_dma2 semaphore(%dma_wait3A_124 : memref<!tpu.dma_semaphore, #tpu.memory_space<semaphore_mem>>) src(%dma_wait3A_131 : memref<128x256xf32, #tpu.memory_space<vmem>>) dst(%dma_wait3A_127 : memref<128x256xf32, #tpu.memory_space<hbm>>)
    %dma_start3A_132 = arith.constant 2 : i32
    %dma_start3A_133 = arith.constant 0 : i32
    %dma_start3A_134 = arith.constant 0 : i32
    %dma_start3A_135 = arith.constant 0 : i32
    %dma_start3A_136 = arith.constant 0 : i32
    %dma_start3A_137 = tpu.memref_slice %arg6[%dma_start3A_133, %dma_start3A_135, %dma_start3A_136] : memref<2x128x256xf32, #tpu.memory_space<vmem>> -> memref<1x128x256xf32, #tpu.memory_space<vmem>>
    %dma_start3A_138 = tpu.memref_squeeze %dma_start3A_137 : memref<1x128x256xf32, #tpu.memory_space<vmem>> -> memref<128x256xf32, #tpu.memory_space<vmem>>
    %dma_start3A_139 = arith.constant 0 : i32
    %dma_start3A_140 = tpu.memref_slice %arg2[%dma_start3A_132, %mul3A_2, %dma_start3A_139] : memref<4x4096x256xf32, #tpu.memory_space<hbm>> -> memref<1x128x256xf32, #tpu.memory_space<hbm>>
    %dma_start3A_141 = tpu.memref_squeeze %dma_start3A_140 : memref<1x128x256xf32, #tpu.memory_space<hbm>> -> memref<128x256xf32, #tpu.memory_space<hbm>>
    %dma_start3A_142 = tpu.memref_slice %arg8[%dma_start3A_134] : memref<2x!tpu.dma_semaphore, #tpu.memory_space<semaphore_mem>> -> memref<1x!tpu.dma_semaphore, #tpu.memory_space<semaphore_mem>>
    %dma_start3A_143 = tpu.memref_squeeze %dma_start3A_142 : memref<1x!tpu.dma_semaphore, #tpu.memory_space<semaphore_mem>> -> memref<!tpu.dma_semaphore, #tpu.memory_space<semaphore_mem>>
    %dma_start3A_144 = arith.constant 0 : i32
    %dma_start3A_145 = arith.constant 0 : i32
    %dma_start3A_146 = tpu.memref_slice %arg6[%dma_start3A_133, %dma_start3A_144, %dma_start3A_145] : memref<2x128x256xf32, #tpu.memory_space<vmem>> -> memref<1x128x256xf32, #tpu.memory_space<vmem>>
    %dma_start3A_147 = tpu.memref_squeeze %dma_start3A_146 : memref<1x128x256xf32, #tpu.memory_space<vmem>> -> memref<128x256xf32, #tpu.memory_space<vmem>>
    %dma_start3A_148 = arith.constant 0 : i32
    %dma_start3A_149 = tpu.memref_slice %arg2[%dma_start3A_132, %mul3A_2, %dma_start3A_148] : memref<4x4096x256xf32, #tpu.memory_space<hbm>> -> memref<1x128x256xf32, #tpu.memory_space<hbm>>
    %dma_start3A_150 = tpu.memref_squeeze %dma_start3A_149 : memref<1x128x256xf32, #tpu.memory_space<hbm>> -> memref<128x256xf32, #tpu.memory_space<hbm>>
    tpu.enqueue_dma source(%dma_start3A_150 : memref<128x256xf32, #tpu.memory_space<hbm>>) target(%dma_start3A_147 : memref<128x256xf32, #tpu.memory_space<vmem>>) target_semaphore(%dma_start3A_143 : memref<!tpu.dma_semaphore, #tpu.memory_space<semaphore_mem>>)
    %dma_wait3A_151 = arith.constant 1 : i32
    %dma_wait3A_152 = arith.constant 1 : i32
    %dma_wait3A_153 = arith.constant 1 : i32
    %dma_wait3A_154 = arith.constant 0 : i32
    %dma_wait3A_155 = arith.constant 0 : i32
    %dma_wait3A_156 = tpu.memref_slice %arg6[%dma_wait3A_152, %dma_wait3A_154, %dma_wait3A_155] : memref<2x128x256xf32, #tpu.memory_space<vmem>> -> memref<1x128x256xf32, #tpu.memory_space<vmem>>
    %dma_wait3A_157 = tpu.memref_squeeze %dma_wait3A_156 : memref<1x128x256xf32, #tpu.memory_space<vmem>> -> memref<128x256xf32, #tpu.memory_space<vmem>>
    %dma_wait3A_158 = arith.constant 0 : i32
    %dma_wait3A_159 = tpu.memref_slice %arg2[%dma_wait3A_151, %mul3A_2, %dma_wait3A_158] : memref<4x4096x256xf32, #tpu.memory_space<hbm>> -> memref<1x128x256xf32, #tpu.memory_space<hbm>>
    %dma_wait3A_160 = tpu.memref_squeeze %dma_wait3A_159 : memref<1x128x256xf32, #tpu.memory_space<hbm>> -> memref<128x256xf32, #tpu.memory_space<hbm>>
    %dma_wait3A_161 = tpu.memref_slice %arg8[%dma_wait3A_153] : memref<2x!tpu.dma_semaphore, #tpu.memory_space<semaphore_mem>> -> memref<1x!tpu.dma_semaphore, #tpu.memory_space<semaphore_mem>>
    %dma_wait3A_162 = tpu.memref_squeeze %dma_wait3A_161 : memref<1x!tpu.dma_semaphore, #tpu.memory_space<semaphore_mem>> -> memref<!tpu.dma_semaphore, #tpu.memory_space<semaphore_mem>>
    %dma_wait3A_163 = arith.constant 0 : i32
    %dma_wait3A_164 = arith.constant 0 : i32
    %dma_wait3A_165 = tpu.memref_slice %arg6[%dma_wait3A_152, %dma_wait3A_163, %dma_wait3A_164] : memref<2x128x256xf32, #tpu.memory_space<vmem>> -> memref<1x128x256xf32, #tpu.memory_space<vmem>>
    %dma_wait3A_166 = tpu.memref_squeeze %dma_wait3A_165 : memref<1x128x256xf32, #tpu.memory_space<vmem>> -> memref<128x256xf32, #tpu.memory_space<vmem>>
    %dma_wait3A_167 = arith.constant 0 : i32
    %dma_wait3A_168 = tpu.memref_slice %arg2[%dma_wait3A_151, %mul3A_2, %dma_wait3A_167] : memref<4x4096x256xf32, #tpu.memory_space<hbm>> -> memref<1x128x256xf32, #tpu.memory_space<hbm>>
    %dma_wait3A_169 = tpu.memref_squeeze %dma_wait3A_168 : memref<1x128x256xf32, #tpu.memory_space<hbm>> -> memref<128x256xf32, #tpu.memory_space<hbm>>
    tpu.wait_dma2 semaphore(%dma_wait3A_162 : memref<!tpu.dma_semaphore, #tpu.memory_space<semaphore_mem>>) src(%dma_wait3A_169 : memref<128x256xf32, #tpu.memory_space<hbm>>) dst(%dma_wait3A_166 : memref<128x256xf32, #tpu.memory_space<vmem>>)
    %dma_start3A_170 = arith.constant 1 : i32
    %dma_start3A_171 = arith.constant 1 : i32
    %dma_start3A_172 = arith.constant 1 : i32
    %dma_start3A_173 = arith.constant 0 : i32
    %dma_start3A_174 = arith.constant 0 : i32
    %dma_start3A_175 = tpu.memref_slice %arg6[%dma_start3A_170, %dma_start3A_173, %dma_start3A_174] : memref<2x128x256xf32, #tpu.memory_space<vmem>> -> memref<1x128x256xf32, #tpu.memory_space<vmem>>
    %dma_start3A_176 = tpu.memref_squeeze %dma_start3A_175 : memref<1x128x256xf32, #tpu.memory_space<vmem>> -> memref<128x256xf32, #tpu.memory_space<vmem>>
    %dma_start3A_177 = arith.constant 0 : i32
    %dma_start3A_178 = tpu.memref_slice %arg4[%dma_start3A_171, %mul3A_2, %dma_start3A_177] : memref<4x4096x512xf32, #tpu.memory_space<hbm>> -> memref<1x128x256xf32, #tpu.memory_space<hbm>>
    %dma_start3A_179 = tpu.memref_squeeze %dma_start3A_178 : memref<1x128x256xf32, #tpu.memory_space<hbm>> -> memref<128x256xf32, #tpu.memory_space<hbm>>
    %dma_start3A_180 = tpu.memref_slice %arg9[%dma_start3A_172] : memref<2x!tpu.dma_semaphore, #tpu.memory_space<semaphore_mem>> -> memref<1x!tpu.dma_semaphore, #tpu.memory_space<semaphore_mem>>
    %dma_start3A_181 = tpu.memref_squeeze %dma_start3A_180 : memref<1x!tpu.dma_semaphore, #tpu.memory_space<semaphore_mem>> -> memref<!tpu.dma_semaphore, #tpu.memory_space<semaphore_mem>>
    %dma_start3A_182 = arith.constant 0 : i32
    %dma_start3A_183 = tpu.memref_slice %arg4[%dma_start3A_171, %mul3A_2, %dma_start3A_182] : memref<4x4096x512xf32, #tpu.memory_space<hbm>> -> memref<1x128x256xf32, #tpu.memory_space<hbm>>
    %dma_start3A_184 = tpu.memref_squeeze %dma_start3A_183 : memref<1x128x256xf32, #tpu.memory_space<hbm>> -> memref<128x256xf32, #tpu.memory_space<hbm>>
    %dma_start3A_185 = arith.constant 0 : i32
    %dma_start3A_186 = arith.constant 0 : i32
    %dma_start3A_187 = tpu.memref_slice %arg6[%dma_start3A_170, %dma_start3A_185, %dma_start3A_186] : memref<2x128x256xf32, #tpu.memory_space<vmem>> -> memref<1x128x256xf32, #tpu.memory_space<vmem>>
    %dma_start3A_188 = tpu.memref_squeeze %dma_start3A_187 : memref<1x128x256xf32, #tpu.memory_space<vmem>> -> memref<128x256xf32, #tpu.memory_space<vmem>>
    tpu.enqueue_dma source(%dma_start3A_188 : memref<128x256xf32, #tpu.memory_space<vmem>>) target(%dma_start3A_184 : memref<128x256xf32, #tpu.memory_space<hbm>>) target_semaphore(%dma_start3A_181 : memref<!tpu.dma_semaphore, #tpu.memory_space<semaphore_mem>>)
    %dma_wait3A_189 = arith.constant 1 : i32
    %dma_wait3A_190 = arith.constant 1 : i32
    %dma_wait3A_191 = arith.constant 1 : i32
    %dma_wait3A_192 = arith.constant 0 : i32
    %dma_wait3A_193 = arith.constant 0 : i32
    %dma_wait3A_194 = tpu.memref_slice %arg6[%dma_wait3A_189, %dma_wait3A_192, %dma_wait3A_193] : memref<2x128x256xf32, #tpu.memory_space<vmem>> -> memref<1x128x256xf32, #tpu.memory_space<vmem>>
    %dma_wait3A_195 = tpu.memref_squeeze %dma_wait3A_194 : memref<1x128x256xf32, #tpu.memory_space<vmem>> -> memref<128x256xf32, #tpu.memory_space<vmem>>
    %dma_wait3A_196 = arith.constant 0 : i32
    %dma_wait3A_197 = tpu.memref_slice %arg4[%dma_wait3A_190, %mul3A_2, %dma_wait3A_196] : memref<4x4096x512xf32, #tpu.memory_space<hbm>> -> memref<1x128x256xf32, #tpu.memory_space<hbm>>
    %dma_wait3A_198 = tpu.memref_squeeze %dma_wait3A_197 : memref<1x128x256xf32, #tpu.memory_space<hbm>> -> memref<128x256xf32, #tpu.memory_space<hbm>>
    %dma_wait3A_199 = tpu.memref_slice %arg9[%dma_wait3A_191] : memref<2x!tpu.dma_semaphore, #tpu.memory_space<semaphore_mem>> -> memref<1x!tpu.dma_semaphore, #tpu.memory_space<semaphore_mem>>
    %dma_wait3A_200 = tpu.memref_squeeze %dma_wait3A_199 : memref<1x!tpu.dma_semaphore, #tpu.memory_space<semaphore_mem>> -> memref<!tpu.dma_semaphore, #tpu.memory_space<semaphore_mem>>
    %dma_wait3A_201 = arith.constant 0 : i32
    %dma_wait3A_202 = tpu.memref_slice %arg4[%dma_wait3A_190, %mul3A_2, %dma_wait3A_201] : memref<4x4096x512xf32, #tpu.memory_space<hbm>> -> memref<1x128x256xf32, #tpu.memory_space<hbm>>
    %dma_wait3A_203 = tpu.memref_squeeze %dma_wait3A_202 : memref<1x128x256xf32, #tpu.memory_space<hbm>> -> memref<128x256xf32, #tpu.memory_space<hbm>>
    %dma_wait3A_204 = arith.constant 0 : i32
    %dma_wait3A_205 = arith.constant 0 : i32
    %dma_wait3A_206 = tpu.memref_slice %arg6[%dma_wait3A_189, %dma_wait3A_204, %dma_wait3A_205] : memref<2x128x256xf32, #tpu.memory_space<vmem>> -> memref<1x128x256xf32, #tpu.memory_space<vmem>>
    %dma_wait3A_207 = tpu.memref_squeeze %dma_wait3A_206 : memref<1x128x256xf32, #tpu.memory_space<vmem>> -> memref<128x256xf32, #tpu.memory_space<vmem>>
    tpu.wait_dma2 semaphore(%dma_wait3A_200 : memref<!tpu.dma_semaphore, #tpu.memory_space<semaphore_mem>>) src(%dma_wait3A_207 : memref<128x256xf32, #tpu.memory_space<vmem>>) dst(%dma_wait3A_203 : memref<128x256xf32, #tpu.memory_space<hbm>>)
    %dma_start3A_208 = arith.constant 3 : i32
    %dma_start3A_209 = arith.constant 1 : i32
    %dma_start3A_210 = arith.constant 1 : i32
    %dma_start3A_211 = arith.constant 0 : i32
    %dma_start3A_212 = arith.constant 0 : i32
    %dma_start3A_213 = tpu.memref_slice %arg6[%dma_start3A_209, %dma_start3A_211, %dma_start3A_212] : memref<2x128x256xf32, #tpu.memory_space<vmem>> -> memref<1x128x256xf32, #tpu.memory_space<vmem>>
    %dma_start3A_214 = tpu.memref_squeeze %dma_start3A_213 : memref<1x128x256xf32, #tpu.memory_space<vmem>> -> memref<128x256xf32, #tpu.memory_space<vmem>>
    %dma_start3A_215 = arith.constant 0 : i32
    %dma_start3A_216 = tpu.memref_slice %arg2[%dma_start3A_208, %mul3A_2, %dma_start3A_215] : memref<4x4096x256xf32, #tpu.memory_space<hbm>> -> memref<1x128x256xf32, #tpu.memory_space<hbm>>
    %dma_start3A_217 = tpu.memref_squeeze %dma_start3A_216 : memref<1x128x256xf32, #tpu.memory_space<hbm>> -> memref<128x256xf32, #tpu.memory_space<hbm>>
    %dma_start3A_218 = tpu.memref_slice %arg8[%dma_start3A_210] : memref<2x!tpu.dma_semaphore, #tpu.memory_space<semaphore_mem>> -> memref<1x!tpu.dma_semaphore, #tpu.memory_space<semaphore_mem>>
    %dma_start3A_219 = tpu.memref_squeeze %dma_start3A_218 : memref<1x!tpu.dma_semaphore, #tpu.memory_space<semaphore_mem>> -> memref<!tpu.dma_semaphore, #tpu.memory_space<semaphore_mem>>
    %dma_start3A_220 = arith.constant 0 : i32
    %dma_start3A_221 = arith.constant 0 : i32
    %dma_start3A_222 = tpu.memref_slice %arg6[%dma_start3A_209, %dma_start3A_220, %dma_start3A_221] : memref<2x128x256xf32, #tpu.memory_space<vmem>> -> memref<1x128x256xf32, #tpu.memory_space<vmem>>
    %dma_start3A_223 = tpu.memref_squeeze %dma_start3A_222 : memref<1x128x256xf32, #tpu.memory_space<vmem>> -> memref<128x256xf32, #tpu.memory_space<vmem>>
    %dma_start3A_224 = arith.constant 0 : i32
    %dma_start3A_225 = tpu.memref_slice %arg2[%dma_start3A_208, %mul3A_2, %dma_start3A_224] : memref<4x4096x256xf32, #tpu.memory_space<hbm>> -> memref<1x128x256xf32, #tpu.memory_space<hbm>>
    %dma_start3A_226 = tpu.memref_squeeze %dma_start3A_225 : memref<1x128x256xf32, #tpu.memory_space<hbm>> -> memref<128x256xf32, #tpu.memory_space<hbm>>
    tpu.enqueue_dma source(%dma_start3A_226 : memref<128x256xf32, #tpu.memory_space<hbm>>) target(%dma_start3A_223 : memref<128x256xf32, #tpu.memory_space<vmem>>) target_semaphore(%dma_start3A_219 : memref<!tpu.dma_semaphore, #tpu.memory_space<semaphore_mem>>)
    %dma_wait3A_227 = arith.constant 2 : i32
    %dma_wait3A_228 = arith.constant 0 : i32
    %dma_wait3A_229 = arith.constant 0 : i32
    %dma_wait3A_230 = arith.constant 0 : i32
    %dma_wait3A_231 = arith.constant 0 : i32
    %dma_wait3A_232 = tpu.memref_slice %arg6[%dma_wait3A_228, %dma_wait3A_230, %dma_wait3A_231] : memref<2x128x256xf32, #tpu.memory_space<vmem>> -> memref<1x128x256xf32, #tpu.memory_space<vmem>>
    %dma_wait3A_233 = tpu.memref_squeeze %dma_wait3A_232 : memref<1x128x256xf32, #tpu.memory_space<vmem>> -> memref<128x256xf32, #tpu.memory_space<vmem>>
    %dma_wait3A_234 = arith.constant 0 : i32
    %dma_wait3A_235 = tpu.memref_slice %arg2[%dma_wait3A_227, %mul3A_2, %dma_wait3A_234] : memref<4x4096x256xf32, #tpu.memory_space<hbm>> -> memref<1x128x256xf32, #tpu.memory_space<hbm>>
    %dma_wait3A_236 = tpu.memref_squeeze %dma_wait3A_235 : memref<1x128x256xf32, #tpu.memory_space<hbm>> -> memref<128x256xf32, #tpu.memory_space<hbm>>
    %dma_wait3A_237 = tpu.memref_slice %arg8[%dma_wait3A_229] : memref<2x!tpu.dma_semaphore, #tpu.memory_space<semaphore_mem>> -> memref<1x!tpu.dma_semaphore, #tpu.memory_space<semaphore_mem>>
    %dma_wait3A_238 = tpu.memref_squeeze %dma_wait3A_237 : memref<1x!tpu.dma_semaphore, #tpu.memory_space<semaphore_mem>> -> memref<!tpu.dma_semaphore, #tpu.memory_space<semaphore_mem>>
    %dma_wait3A_239 = arith.constant 0 : i32
    %dma_wait3A_240 = arith.constant 0 : i32
    %dma_wait3A_241 = tpu.memref_slice %arg6[%dma_wait3A_228, %dma_wait3A_239, %dma_wait3A_240] : memref<2x128x256xf32, #tpu.memory_space<vmem>> -> memref<1x128x256xf32, #tpu.memory_space<vmem>>
    %dma_wait3A_242 = tpu.memref_squeeze %dma_wait3A_241 : memref<1x128x256xf32, #tpu.memory_space<vmem>> -> memref<128x256xf32, #tpu.memory_space<vmem>>
    %dma_wait3A_243 = arith.constant 0 : i32
    %dma_wait3A_244 = tpu.memref_slice %arg2[%dma_wait3A_227, %mul3A_2, %dma_wait3A_243] : memref<4x4096x256xf32, #tpu.memory_space<hbm>> -> memref<1x128x256xf32, #tpu.memory_space<hbm>>
    %dma_wait3A_245 = tpu.memref_squeeze %dma_wait3A_244 : memref<1x128x256xf32, #tpu.memory_space<hbm>> -> memref<128x256xf32, #tpu.memory_space<hbm>>
    tpu.wait_dma2 semaphore(%dma_wait3A_238 : memref<!tpu.dma_semaphore, #tpu.memory_space<semaphore_mem>>) src(%dma_wait3A_245 : memref<128x256xf32, #tpu.memory_space<hbm>>) dst(%dma_wait3A_242 : memref<128x256xf32, #tpu.memory_space<vmem>>)
    %dma_start3A_246 = arith.constant 0 : i32
    %dma_start3A_247 = arith.constant 2 : i32
    %dma_start3A_248 = arith.constant 0 : i32
    %dma_start3A_249 = arith.constant 0 : i32
    %dma_start3A_250 = arith.constant 0 : i32
    %dma_start3A_251 = tpu.memref_slice %arg6[%dma_start3A_246, %dma_start3A_249, %dma_start3A_250] : memref<2x128x256xf32, #tpu.memory_space<vmem>> -> memref<1x128x256xf32, #tpu.memory_space<vmem>>
    %dma_start3A_252 = tpu.memref_squeeze %dma_start3A_251 : memref<1x128x256xf32, #tpu.memory_space<vmem>> -> memref<128x256xf32, #tpu.memory_space<vmem>>
    %dma_start3A_253 = arith.constant 0 : i32
    %dma_start3A_254 = tpu.memref_slice %arg4[%dma_start3A_247, %mul3A_2, %dma_start3A_253] : memref<4x4096x512xf32, #tpu.memory_space<hbm>> -> memref<1x128x256xf32, #tpu.memory_space<hbm>>
    %dma_start3A_255 = tpu.memref_squeeze %dma_start3A_254 : memref<1x128x256xf32, #tpu.memory_space<hbm>> -> memref<128x256xf32, #tpu.memory_space<hbm>>
    %dma_start3A_256 = tpu.memref_slice %arg9[%dma_start3A_248] : memref<2x!tpu.dma_semaphore, #tpu.memory_space<semaphore_mem>> -> memref<1x!tpu.dma_semaphore, #tpu.memory_space<semaphore_mem>>
    %dma_start3A_257 = tpu.memref_squeeze %dma_start3A_256 : memref<1x!tpu.dma_semaphore, #tpu.memory_space<semaphore_mem>> -> memref<!tpu.dma_semaphore, #tpu.memory_space<semaphore_mem>>
    %dma_start3A_258 = arith.constant 0 : i32
    %dma_start3A_259 = tpu.memref_slice %arg4[%dma_start3A_247, %mul3A_2, %dma_start3A_258] : memref<4x4096x512xf32, #tpu.memory_space<hbm>> -> memref<1x128x256xf32, #tpu.memory_space<hbm>>
    %dma_start3A_260 = tpu.memref_squeeze %dma_start3A_259 : memref<1x128x256xf32, #tpu.memory_space<hbm>> -> memref<128x256xf32, #tpu.memory_space<hbm>>
    %dma_start3A_261 = arith.constant 0 : i32
    %dma_start3A_262 = arith.constant 0 : i32
    %dma_start3A_263 = tpu.memref_slice %arg6[%dma_start3A_246, %dma_start3A_261, %dma_start3A_262] : memref<2x128x256xf32, #tpu.memory_space<vmem>> -> memref<1x128x256xf32, #tpu.memory_space<vmem>>
    %dma_start3A_264 = tpu.memref_squeeze %dma_start3A_263 : memref<1x128x256xf32, #tpu.memory_space<vmem>> -> memref<128x256xf32, #tpu.memory_space<vmem>>
    tpu.enqueue_dma source(%dma_start3A_264 : memref<128x256xf32, #tpu.memory_space<vmem>>) target(%dma_start3A_260 : memref<128x256xf32, #tpu.memory_space<hbm>>) target_semaphore(%dma_start3A_257 : memref<!tpu.dma_semaphore, #tpu.memory_space<semaphore_mem>>)
    %dma_wait3A_265 = arith.constant 3 : i32
    %dma_wait3A_266 = arith.constant 1 : i32
    %dma_wait3A_267 = arith.constant 1 : i32
    %dma_wait3A_268 = arith.constant 0 : i32
    %dma_wait3A_269 = arith.constant 0 : i32
    %dma_wait3A_270 = tpu.memref_slice %arg6[%dma_wait3A_266, %dma_wait3A_268, %dma_wait3A_269] : memref<2x128x256xf32, #tpu.memory_space<vmem>> -> memref<1x128x256xf32, #tpu.memory_space<vmem>>
    %dma_wait3A_271 = tpu.memref_squeeze %dma_wait3A_270 : memref<1x128x256xf32, #tpu.memory_space<vmem>> -> memref<128x256xf32, #tpu.memory_space<vmem>>
    %dma_wait3A_272 = arith.constant 0 : i32
    %dma_wait3A_273 = tpu.memref_slice %arg2[%dma_wait3A_265, %mul3A_2, %dma_wait3A_272] : memref<4x4096x256xf32, #tpu.memory_space<hbm>> -> memref<1x128x256xf32, #tpu.memory_space<hbm>>
    %dma_wait3A_274 = tpu.memref_squeeze %dma_wait3A_273 : memref<1x128x256xf32, #tpu.memory_space<hbm>> -> memref<128x256xf32, #tpu.memory_space<hbm>>
    %dma_wait3A_275 = tpu.memref_slice %arg8[%dma_wait3A_267] : memref<2x!tpu.dma_semaphore, #tpu.memory_space<semaphore_mem>> -> memref<1x!tpu.dma_semaphore, #tpu.memory_space<semaphore_mem>>
    %dma_wait3A_276 = tpu.memref_squeeze %dma_wait3A_275 : memref<1x!tpu.dma_semaphore, #tpu.memory_space<semaphore_mem>> -> memref<!tpu.dma_semaphore, #tpu.memory_space<semaphore_mem>>
    %dma_wait3A_277 = arith.constant 0 : i32
    %dma_wait3A_278 = arith.constant 0 : i32
    %dma_wait3A_279 = tpu.memref_slice %arg6[%dma_wait3A_266, %dma_wait3A_277, %dma_wait3A_278] : memref<2x128x256xf32, #tpu.memory_space<vmem>> -> memref<1x128x256xf32, #tpu.memory_space<vmem>>
    %dma_wait3A_280 = tpu.memref_squeeze %dma_wait3A_279 : memref<1x128x256xf32, #tpu.memory_space<vmem>> -> memref<128x256xf32, #tpu.memory_space<vmem>>
    %dma_wait3A_281 = arith.constant 0 : i32
    %dma_wait3A_282 = tpu.memref_slice %arg2[%dma_wait3A_265, %mul3A_2, %dma_wait3A_281] : memref<4x4096x256xf32, #tpu.memory_space<hbm>> -> memref<1x128x256xf32, #tpu.memory_space<hbm>>
    %dma_wait3A_283 = tpu.memref_squeeze %dma_wait3A_282 : memref<1x128x256xf32, #tpu.memory_space<hbm>> -> memref<128x256xf32, #tpu.memory_space<hbm>>
    tpu.wait_dma2 semaphore(%dma_wait3A_276 : memref<!tpu.dma_semaphore, #tpu.memory_space<semaphore_mem>>) src(%dma_wait3A_283 : memref<128x256xf32, #tpu.memory_space<hbm>>) dst(%dma_wait3A_280 : memref<128x256xf32, #tpu.memory_space<vmem>>)
    %dma_start3A_284 = arith.constant 1 : i32
    %dma_start3A_285 = arith.constant 3 : i32
    %dma_start3A_286 = arith.constant 1 : i32
    %dma_start3A_287 = arith.constant 0 : i32
    %dma_start3A_288 = arith.constant 0 : i32
    %dma_start3A_289 = tpu.memref_slice %arg6[%dma_start3A_284, %dma_start3A_287, %dma_start3A_288] : memref<2x128x256xf32, #tpu.memory_space<vmem>> -> memref<1x128x256xf32, #tpu.memory_space<vmem>>
    %dma_start3A_290 = tpu.memref_squeeze %dma_start3A_289 : memref<1x128x256xf32, #tpu.memory_space<vmem>> -> memref<128x256xf32, #tpu.memory_space<vmem>>
    %dma_start3A_291 = arith.constant 0 : i32
    %dma_start3A_292 = tpu.memref_slice %arg4[%dma_start3A_285, %mul3A_2, %dma_start3A_291] : memref<4x4096x512xf32, #tpu.memory_space<hbm>> -> memref<1x128x256xf32, #tpu.memory_space<hbm>>
    %dma_start3A_293 = tpu.memref_squeeze %dma_start3A_292 : memref<1x128x256xf32, #tpu.memory_space<hbm>> -> memref<128x256xf32, #tpu.memory_space<hbm>>
    %dma_start3A_294 = tpu.memref_slice %arg9[%dma_start3A_286] : memref<2x!tpu.dma_semaphore, #tpu.memory_space<semaphore_mem>> -> memref<1x!tpu.dma_semaphore, #tpu.memory_space<semaphore_mem>>
    %dma_start3A_295 = tpu.memref_squeeze %dma_start3A_294 : memref<1x!tpu.dma_semaphore, #tpu.memory_space<semaphore_mem>> -> memref<!tpu.dma_semaphore, #tpu.memory_space<semaphore_mem>>
    %dma_start3A_296 = arith.constant 0 : i32
    %dma_start3A_297 = tpu.memref_slice %arg4[%dma_start3A_285, %mul3A_2, %dma_start3A_296] : memref<4x4096x512xf32, #tpu.memory_space<hbm>> -> memref<1x128x256xf32, #tpu.memory_space<hbm>>
    %dma_start3A_298 = tpu.memref_squeeze %dma_start3A_297 : memref<1x128x256xf32, #tpu.memory_space<hbm>> -> memref<128x256xf32, #tpu.memory_space<hbm>>
    %dma_start3A_299 = arith.constant 0 : i32
    %dma_start3A_300 = arith.constant 0 : i32
    %dma_start3A_301 = tpu.memref_slice %arg6[%dma_start3A_284, %dma_start3A_299, %dma_start3A_300] : memref<2x128x256xf32, #tpu.memory_space<vmem>> -> memref<1x128x256xf32, #tpu.memory_space<vmem>>
    %dma_start3A_302 = tpu.memref_squeeze %dma_start3A_301 : memref<1x128x256xf32, #tpu.memory_space<vmem>> -> memref<128x256xf32, #tpu.memory_space<vmem>>
    tpu.enqueue_dma source(%dma_start3A_302 : memref<128x256xf32, #tpu.memory_space<vmem>>) target(%dma_start3A_298 : memref<128x256xf32, #tpu.memory_space<hbm>>) target_semaphore(%dma_start3A_295 : memref<!tpu.dma_semaphore, #tpu.memory_space<semaphore_mem>>)
    %dma_wait3A_303 = arith.constant 0 : i32
    %dma_wait3A_304 = arith.constant 2 : i32
    %dma_wait3A_305 = arith.constant 0 : i32
    %dma_wait3A_306 = arith.constant 0 : i32
    %dma_wait3A_307 = arith.constant 0 : i32
    %dma_wait3A_308 = tpu.memref_slice %arg6[%dma_wait3A_303, %dma_wait3A_306, %dma_wait3A_307] : memref<2x128x256xf32, #tpu.memory_space<vmem>> -> memref<1x128x256xf32, #tpu.memory_space<vmem>>
    %dma_wait3A_309 = tpu.memref_squeeze %dma_wait3A_308 : memref<1x128x256xf32, #tpu.memory_space<vmem>> -> memref<128x256xf32, #tpu.memory_space<vmem>>
    %dma_wait3A_310 = arith.constant 0 : i32
    %dma_wait3A_311 = tpu.memref_slice %arg4[%dma_wait3A_304, %mul3A_2, %dma_wait3A_310] : memref<4x4096x512xf32, #tpu.memory_space<hbm>> -> memref<1x128x256xf32, #tpu.memory_space<hbm>>
    %dma_wait3A_312 = tpu.memref_squeeze %dma_wait3A_311 : memref<1x128x256xf32, #tpu.memory_space<hbm>> -> memref<128x256xf32, #tpu.memory_space<hbm>>
    %dma_wait3A_313 = tpu.memref_slice %arg9[%dma_wait3A_305] : memref<2x!tpu.dma_semaphore, #tpu.memory_space<semaphore_mem>> -> memref<1x!tpu.dma_semaphore, #tpu.memory_space<semaphore_mem>>
    %dma_wait3A_314 = tpu.memref_squeeze %dma_wait3A_313 : memref<1x!tpu.dma_semaphore, #tpu.memory_space<semaphore_mem>> -> memref<!tpu.dma_semaphore, #tpu.memory_space<semaphore_mem>>
    %dma_wait3A_315 = arith.constant 0 : i32
    %dma_wait3A_316 = tpu.memref_slice %arg4[%dma_wait3A_304, %mul3A_2, %dma_wait3A_315] : memref<4x4096x512xf32, #tpu.memory_space<hbm>> -> memref<1x128x256xf32, #tpu.memory_space<hbm>>
    %dma_wait3A_317 = tpu.memref_squeeze %dma_wait3A_316 : memref<1x128x256xf32, #tpu.memory_space<hbm>> -> memref<128x256xf32, #tpu.memory_space<hbm>>
    %dma_wait3A_318 = arith.constant 0 : i32
    %dma_wait3A_319 = arith.constant 0 : i32
    %dma_wait3A_320 = tpu.memref_slice %arg6[%dma_wait3A_303, %dma_wait3A_318, %dma_wait3A_319] : memref<2x128x256xf32, #tpu.memory_space<vmem>> -> memref<1x128x256xf32, #tpu.memory_space<vmem>>
    %dma_wait3A_321 = tpu.memref_squeeze %dma_wait3A_320 : memref<1x128x256xf32, #tpu.memory_space<vmem>> -> memref<128x256xf32, #tpu.memory_space<vmem>>
    tpu.wait_dma2 semaphore(%dma_wait3A_314 : memref<!tpu.dma_semaphore, #tpu.memory_space<semaphore_mem>>) src(%dma_wait3A_321 : memref<128x256xf32, #tpu.memory_space<vmem>>) dst(%dma_wait3A_317 : memref<128x256xf32, #tpu.memory_space<hbm>>)
    %dma_wait3A_322 = arith.constant 1 : i32
    %dma_wait3A_323 = arith.constant 3 : i32
    %dma_wait3A_324 = arith.constant 1 : i32
    %dma_wait3A_325 = arith.constant 0 : i32
    %dma_wait3A_326 = arith.constant 0 : i32
    %dma_wait3A_327 = tpu.memref_slice %arg6[%dma_wait3A_322, %dma_wait3A_325, %dma_wait3A_326] : memref<2x128x256xf32, #tpu.memory_space<vmem>> -> memref<1x128x256xf32, #tpu.memory_space<vmem>>
    %dma_wait3A_328 = tpu.memref_squeeze %dma_wait3A_327 : memref<1x128x256xf32, #tpu.memory_space<vmem>> -> memref<128x256xf32, #tpu.memory_space<vmem>>
    %dma_wait3A_329 = arith.constant 0 : i32
    %dma_wait3A_330 = tpu.memref_slice %arg4[%dma_wait3A_323, %mul3A_2, %dma_wait3A_329] : memref<4x4096x512xf32, #tpu.memory_space<hbm>> -> memref<1x128x256xf32, #tpu.memory_space<hbm>>
    %dma_wait3A_331 = tpu.memref_squeeze %dma_wait3A_330 : memref<1x128x256xf32, #tpu.memory_space<hbm>> -> memref<128x256xf32, #tpu.memory_space<hbm>>
    %dma_wait3A_332 = tpu.memref_slice %arg9[%dma_wait3A_324] : memref<2x!tpu.dma_semaphore, #tpu.memory_space<semaphore_mem>> -> memref<1x!tpu.dma_semaphore, #tpu.memory_space<semaphore_mem>>
    %dma_wait3A_333 = tpu.memref_squeeze %dma_wait3A_332 : memref<1x!tpu.dma_semaphore, #tpu.memory_space<semaphore_mem>> -> memref<!tpu.dma_semaphore, #tpu.memory_space<semaphore_mem>>
    %dma_wait3A_334 = arith.constant 0 : i32
    %dma_wait3A_335 = tpu.memref_slice %arg4[%dma_wait3A_323, %mul3A_2, %dma_wait3A_334] : memref<4x4096x512xf32, #tpu.memory_space<hbm>> -> memref<1x128x256xf32, #tpu.memory_space<hbm>>
    %dma_wait3A_336 = tpu.memref_squeeze %dma_wait3A_335 : memref<1x128x256xf32, #tpu.memory_space<hbm>> -> memref<128x256xf32, #tpu.memory_space<hbm>>
    %dma_wait3A_337 = arith.constant 0 : i32
    %dma_wait3A_338 = arith.constant 0 : i32
    %dma_wait3A_339 = tpu.memref_slice %arg6[%dma_wait3A_322, %dma_wait3A_337, %dma_wait3A_338] : memref<2x128x256xf32, #tpu.memory_space<vmem>> -> memref<1x128x256xf32, #tpu.memory_space<vmem>>
    %dma_wait3A_340 = tpu.memref_squeeze %dma_wait3A_339 : memref<1x128x256xf32, #tpu.memory_space<vmem>> -> memref<128x256xf32, #tpu.memory_space<vmem>>
    tpu.wait_dma2 semaphore(%dma_wait3A_333 : memref<!tpu.dma_semaphore, #tpu.memory_space<semaphore_mem>>) src(%dma_wait3A_340 : memref<128x256xf32, #tpu.memory_space<vmem>>) dst(%dma_wait3A_336 : memref<128x256xf32, #tpu.memory_space<hbm>>)
    %dma_wait3A_341 = arith.constant 0 : i32
    %dma_wait3A_342 = arith.constant 256 : i32
    %dma_wait3A_343 = tpu.memref_slice %arg4[%dma_wait3A_341, %mul3A_2, %dma_wait3A_342] : memref<4x4096x512xf32, #tpu.memory_space<hbm>> -> memref<1x128x256xf32, #tpu.memory_space<hbm>>
    %dma_wait3A_344 = tpu.memref_squeeze %dma_wait3A_343 : memref<1x128x256xf32, #tpu.memory_space<hbm>> -> memref<128x256xf32, #tpu.memory_space<hbm>>
    %dma_wait3A_345 = arith.constant 256 : i32
    %dma_wait3A_346 = tpu.memref_slice %arg4[%dma_wait3A_341, %mul3A_2, %dma_wait3A_345] : memref<4x4096x512xf32, #tpu.memory_space<hbm>> -> memref<1x128x256xf32, #tpu.memory_space<hbm>>
    %dma_wait3A_347 = tpu.memref_squeeze %dma_wait3A_346 : memref<1x128x256xf32, #tpu.memory_space<hbm>> -> memref<128x256xf32, #tpu.memory_space<hbm>>
    tpu.wait_dma2 semaphore(%arg10 : memref<!tpu.dma_semaphore, #tpu.memory_space<semaphore_mem>>) src(%arg5 : memref<128x256xf32, #tpu.memory_space<vmem>>) dst(%dma_wait3A_347 : memref<128x256xf32, #tpu.memory_space<hbm>>)
    %dma_wait3A_348 = arith.constant 1 : i32
    %dma_wait3A_349 = arith.constant 256 : i32
    %dma_wait3A_350 = tpu.memref_slice %arg4[%dma_wait3A_348, %mul3A_2, %dma_wait3A_349] : memref<4x4096x512xf32, #tpu.memory_space<hbm>> -> memref<1x128x256xf32, #tpu.memory_space<hbm>>
    %dma_wait3A_351 = tpu.memref_squeeze %dma_wait3A_350 : memref<1x128x256xf32, #tpu.memory_space<hbm>> -> memref<128x256xf32, #tpu.memory_space<hbm>>
    %dma_wait3A_352 = arith.constant 256 : i32
    %dma_wait3A_353 = tpu.memref_slice %arg4[%dma_wait3A_348, %mul3A_2, %dma_wait3A_352] : memref<4x4096x512xf32, #tpu.memory_space<hbm>> -> memref<1x128x256xf32, #tpu.memory_space<hbm>>
    %dma_wait3A_354 = tpu.memref_squeeze %dma_wait3A_353 : memref<1x128x256xf32, #tpu.memory_space<hbm>> -> memref<128x256xf32, #tpu.memory_space<hbm>>
    tpu.wait_dma2 semaphore(%arg10 : memref<!tpu.dma_semaphore, #tpu.memory_space<semaphore_mem>>) src(%arg5 : memref<128x256xf32, #tpu.memory_space<vmem>>) dst(%dma_wait3A_354 : memref<128x256xf32, #tpu.memory_space<hbm>>)
    %dma_wait3A_355 = arith.constant 2 : i32
    %dma_wait3A_356 = arith.constant 256 : i32
    %dma_wait3A_357 = tpu.memref_slice %arg4[%dma_wait3A_355, %mul3A_2, %dma_wait3A_356] : memref<4x4096x512xf32, #tpu.memory_space<hbm>> -> memref<1x128x256xf32, #tpu.memory_space<hbm>>
    %dma_wait3A_358 = tpu.memref_squeeze %dma_wait3A_357 : memref<1x128x256xf32, #tpu.memory_space<hbm>> -> memref<128x256xf32, #tpu.memory_space<hbm>>
    %dma_wait3A_359 = arith.constant 256 : i32
    %dma_wait3A_360 = tpu.memref_slice %arg4[%dma_wait3A_355, %mul3A_2, %dma_wait3A_359] : memref<4x4096x512xf32, #tpu.memory_space<hbm>> -> memref<1x128x256xf32, #tpu.memory_space<hbm>>
    %dma_wait3A_361 = tpu.memref_squeeze %dma_wait3A_360 : memref<1x128x256xf32, #tpu.memory_space<hbm>> -> memref<128x256xf32, #tpu.memory_space<hbm>>
    tpu.wait_dma2 semaphore(%arg10 : memref<!tpu.dma_semaphore, #tpu.memory_space<semaphore_mem>>) src(%arg5 : memref<128x256xf32, #tpu.memory_space<vmem>>) dst(%dma_wait3A_361 : memref<128x256xf32, #tpu.memory_space<hbm>>)
    %dma_wait3A_362 = arith.constant 3 : i32
    %dma_wait3A_363 = arith.constant 256 : i32
    %dma_wait3A_364 = tpu.memref_slice %arg4[%dma_wait3A_362, %mul3A_2, %dma_wait3A_363] : memref<4x4096x512xf32, #tpu.memory_space<hbm>> -> memref<1x128x256xf32, #tpu.memory_space<hbm>>
    %dma_wait3A_365 = tpu.memref_squeeze %dma_wait3A_364 : memref<1x128x256xf32, #tpu.memory_space<hbm>> -> memref<128x256xf32, #tpu.memory_space<hbm>>
    %dma_wait3A_366 = arith.constant 256 : i32
    %dma_wait3A_367 = tpu.memref_slice %arg4[%dma_wait3A_362, %mul3A_2, %dma_wait3A_366] : memref<4x4096x512xf32, #tpu.memory_space<hbm>> -> memref<1x128x256xf32, #tpu.memory_space<hbm>>
    %dma_wait3A_368 = tpu.memref_squeeze %dma_wait3A_367 : memref<1x128x256xf32, #tpu.memory_space<hbm>> -> memref<128x256xf32, #tpu.memory_space<hbm>>
    tpu.wait_dma2 semaphore(%arg10 : memref<!tpu.dma_semaphore, #tpu.memory_space<semaphore_mem>>) src(%arg5 : memref<128x256xf32, #tpu.memory_space<vmem>>) dst(%dma_wait3A_368 : memref<128x256xf32, #tpu.memory_space<hbm>>)
    return
  }
}

</mosaic_0001>

<sc_bundles>
// kernel: kernel.3.cloned.1.call-start
scs
__scs_entry_jumppad:
0x0: {  	(pc) =	sbr.rel $0x88, $3  }
0x1: {  	(tag) =	ssettag $0x0;
	lr =	simm.s32 $0x1  }
0x2: {  	[smem:$0x3F9F] =	sst lr;
	_ =	strace $0xD0000000  }
0x3: {  	_ = 	snop  }
0x4: {  	_ = 	snop  }
0x5: {  	_ = 	snop  }
0x6: {  	_ = 	snop  }
0x7: {  	_ = 	snop  }
__scs_overlays_trampoline_lowered:
0x8: {  	[smem:$0x3FAE] =	sst s0  }
0x9: {  	[smem:$0x3FAF] =	sst s1  }
0xa: {  	[smem:$0x3FB0] =	sst s2  }
0xb: {  	[smem:$0x3FB1] =	sst s3  }
0xc: {  	[smem:$0x3FB2] =	sst s4  }
0xd: {  	[smem:$0x3FB3] =	sst s5  }
0xe: {  	[smem:$0x3FB4] =	sst s6  }
0xf: {  	[smem:$0x3FB5] =	sst s7  }
0x10: {  	[smem:$0x3FB6] =	sst s8  }
0x11: {  	[smem:$0x3FB7] =	sst s9;
	s0 =	simm.s32 @!p0 $0x0  }
0x12: {  	s1 =	sld [smem:$0x3F9D];
	s0 =	simm.s32 @p0 $0x1  }
0x13: {  	[smem:$0x3FB8] =	sst s0;
	s0 =	simm.s32 @!p1 $0x0  }
0x14: {  	s2 =	sld [smem:$0x3F9C];
	s0 =	simm.s32 @p1 $0x1  }
0x15: {  	[smem:$0x3FB9] =	sst s0;
	s0 =	simm.s32 @!p2 $0x0  }
0x16: {  	s3 =	sld [smem:$0x3FDB];
	s0 =	simm.s32 @p2 $0x1  }
0x17: {  	s4 =	simm.s32 $0x1BF5;
	[smem:$0x3FBB] =	sst s0  }
0x18: {  	s0 =	sld [smem:$0x3F9E];
	_ =	swait.ge [sflag:s4], $0x0  }
0x19: {  	s7 =	sld [smem:$0x3F9F]  }
0x1a: {  	s8 =	sadd.s32 $0xFFFFE003, lr  }
0x1b: {  	s9 =	sadd.s32 $0xFFFFFEF7, lr;
	s5 =	simm.s32 $0xFFFFFFFF;
	p2 =	slt.u32 s8, $0xFFFFF086  }
0x1c: {  	p1 =	slt.u32 s9, $0xF7A;
	s5 =	simm.s32 @!p2 $0x0  }
0x1d: {  	s5 =	simm.s32 @p1 $0x1;
	p0 =	seq.s32 s7, s2  }
0x1e: {  	s7 =	smul.u32 @!p0 $0xF7A, s2;
	p2 =	seq.s32 @!p0 s5, $0x0  }
0x1f: {  	s9 =	smul.u32 $0xF7A, s1;
	s8 =	simm.s32 @!p0 $0x1BF5;
	p2 =	por !p2, p0  }
0x20: {  	[sflag:s8] =	ssyncset.s32 @!p0 $0xFFFFF086;
	s6 =	sadd.s32 @!p0 s3, s7;
	s7 =	simm.s32 @!p0 $0x108  }
0x21: {  	s3 =	sadd.s32 s3, s9;
	s6 =	sadd.s32 @!p0 $0x88, s6;
	s7 =	simm.s32 @p2 $0x1082  }
0x22: {  	[simem:s7], [sflag:s8] =	dma.local @!p0 [hbm:s6], $0xF7A  }
0x23: {  	s9 =	sor.u32 $0xD0000000, s2;
	s6 =	simm.s32 $0x108;
	_ =	swait.ge @!p0 [sflag:s8], $0x0  }
0x24: {  	s3 =	sadd.s32 $0x88, s3;
	s6 =	simm.s32 @!p1 $0x1082;
	[sflag:s4] =	ssyncset.s32 $0xFFFFF086  }
0x25: {  	[simem:s6], [sflag:s4] =	dma.local [hbm:s3], $0xF7A  }
0x26: {  	[smem:$0x3F9F] =	sst s1;
	(tag) =	ssettag s2;
	_ =	strace s9  }
0x27: {  	s1 =	sld [smem:$0x3FAF]  }
0x28: {  	s2 =	sld [smem:$0x3FB0]  }
0x29: {  	s4 =	sld [smem:$0x3FB2]  }
0x2a: {  	p0 =	seq.s32 s5, $0x0;
	s5 =	sld [smem:$0x3FB3]  }
0x2b: {  	s6 =	sld [smem:$0x3FB4]  }
0x2c: {  	s7 =	sld [smem:$0x3FB5]  }
0x2d: {  	s3 =	simm.s32 $0x108;
	s8 =	sld [smem:$0x3FB6]  }
0x2e: {  	s3 =	simm.s32 @!p0 $0x1082;
	s9 =	sld [smem:$0x3FB7]  }
0x2f: {  	lr =	sadd.s32 s0, s3;
	s0 =	sld [smem:$0x3FAE]  }
0x30: {  	s3 =	sld [smem:$0x3FB1]  }
0x31: {  	[smem:$0x3FBA] =	sst s10  }
0x32: {  	s10 =	sld [smem:$0x3FB8];
	_ =	sdelay $0x3  }
0x33: {  	p0 =	seq.s32 s10, $0x1;
	s10 =	sld [smem:$0x3FBA];
	_ =	sdelay $0x3  }
0x34: {  	[smem:$0x3FBA] =	sst s10  }
0x35: {  	s10 =	sld [smem:$0x3FB9];
	_ =	sdelay $0x3  }
0x36: {  	p1 =	seq.s32 s10, $0x1;
	s10 =	sld [smem:$0x3FBA];
	_ =	sdelay $0x3  }
0x37: {  	[smem:$0x3FBA] =	sst s10  }
0x38: {  	s10 =	sld [smem:$0x3FBB]  }
0x39: {  	_ = 	snop;
	(pc) =	sbr.ind lr, $3  }
0x3a: {  	_ = 	snop  }
0x3b: {  	_ = 	snop  }
0x3c: {  	p2 =	seq.s32 s10, $0x1;
	s10 =	sld [smem:$0x3FBA]  }
0x3d: {  	_ =	shalt  }
0x3e: {  	_ =	shalt  }
0x3f: {  	_ =	shalt  }
0x40: {  	_ =	shalt  }
0x41: {  	_ =	shalt  }
0x42: {  	_ =	shalt  }
0x43: {  	_ =	shalt  }
0x44: {  	_ =	shalt  }
0x45: {  	_ =	shalt  }
0x46: {  	_ =	shalt  }
0x47: {  	_ =	shalt  }
0x48: {  	_ =	shalt  }
0x49: {  	_ =	shalt  }
0x4a: {  	_ =	shalt  }
0x4b: {  	_ =	shalt  }
0x4c: {  	_ =	shalt  }
0x4d: {  	_ =	shalt  }
0x4e: {  	_ =	shalt  }
0x4f: {  	_ =	shalt  }
0x50: {  	_ =	shalt  }
0x51: {  	_ =	shalt  }
0x52: {  	_ =	shalt  }
0x53: {  	_ =	shalt  }
0x54: {  	_ =	shalt  }
0x55: {  	_ =	shalt  }
0x56: {  	_ =	shalt  }
0x57: {  	_ =	shalt  }
0x58: {  	_ =	shalt  }
0x59: {  	_ =	shalt  }
0x5a: {  	_ =	shalt  }
0x5b: {  	_ =	shalt  }
0x5c: {  	_ =	shalt  }
0x5d: {  	_ =	shalt  }
0x5e: {  	_ =	shalt  }
0x5f: {  	_ =	shalt  }
0x60: {  	_ =	shalt  }
0x61: {  	_ =	shalt  }
0x62: {  	_ =	shalt  }
0x63: {  	_ =	shalt  }
0x64: {  	_ =	shalt  }
0x65: {  	_ =	shalt  }
0x66: {  	_ =	shalt  }
0x67: {  	_ =	shalt  }
0x68: {  	_ =	shalt  }
0x69: {  	_ =	shalt  }
0x6a: {  	_ =	shalt  }
0x6b: {  	_ =	shalt  }
0x6c: {  	_ =	shalt  }
0x6d: {  	_ =	shalt  }
0x6e: {  	_ =	shalt  }
0x6f: {  	_ =	shalt  }
0x70: {  	_ =	shalt  }
0x71: {  	_ =	shalt  }
0x72: {  	_ =	shalt  }
0x73: {  	_ =	shalt  }
0x74: {  	_ =	shalt  }
0x75: {  	_ =	shalt  }
0x76: {  	_ =	shalt  }
0x77: {  	_ =	shalt  }
0x78: {  	_ =	shalt  }
0x79: {  	_ =	shalt  }
0x7a: {  	_ =	shalt  }
0x7b: {  	_ =	shalt  }
0x7c: {  	_ =	shalt  }
0x7d: {  	_ =	shalt  }
0x7e: {  	_ =	shalt  }
0x7f: {  	_ =	shalt  }
0x80: {  	_ =	shalt  }
0x81: {  	_ =	shalt  }
0x82: {  	_ =	shalt  }
0x83: {  	_ =	shalt  }
0x84: {  	_ =	shalt  }
0x85: {  	_ =	shalt  }
0x86: {  	_ =	shalt  }
0x87: {  	_ =	shalt  }
.Lfunc_end0:
.L_simem_size_0:
called_computation_lowered:
.L_overlay_start_0:
0x88: {  	s2 =	sld [smem:$0x3FD9]  }
0x89: {  	s3 =	sld [smem:$0x3FFE];
	_ =	sdelay $0x1  }
0x8a: {  	s1 =	srdreg.scid  }
0x8b: {  	s0 =	sand.u32 $0x1, s1  }
0x8c: {  	s18 =	sshll.u32 s0, $0xA;
	s2 =	sadd.s32 s3, s2  }
0x8d: {  	s2 =	sadd.s32 s2, s18  }
0x8e: {  	[smem:$0x3FC6] =	sst s2  }
0x8f: {  	_ = 	snop  }
0x90: {  	s2 =	sld [smem:$0x3FC9]  }
0x91: {  	s19 =	sld [smem:$0x3FC8]  }
0x92: {  	s4 =	sld [smem:$0x3FD0];
	(tm) =	ssettm $0x1  }
0x93: {  	s5 =	sld [smem:$0x3FFB];
	_ =	sdelay $0x3  }
0x94: {  	_ =	strace s5  }
0x95: {  	s5 =	sld [smem:$0x3FFC];
	_ =	sdelay $0x3  }
0x96: {  	_ =	strace s5  }
0x97: {  	s5 =	sld [smem:$0x3FFD];
	_ =	sdelay $0x3  }
0x98: {  	_ =	strace s5  }
0x99: {  	_ =	strace $0x8FFFFFFF  }
0x9a: {  	s20 =	sld [smem:$0x3FDB];
	_ =	sdelay $0x1  }
0x9b: {  	s6 =	simm.s32 $_scs_section_size  }
0x9c: {  	s7 =	simm.s32 $_size__tile_overlayer_lowered;
	s8 =	simm.s32 $_tile_overlayer_lowered  }
0x9d: {  	s23 =	simm.s32 $0x1BFF;
	s22 =	sshll.u32 s8, $0x1;
	s5 =	sadd.s32 s6, s20  }
0x9e: {  	s9 =	simm.s32 $0x0;
	s21 =	sshll.u32 s7, $0x1;
	s7 =	sadd.s32 s22, s5  }
0x9f: {  	[timem:s9], [sflag:s23] =	dma.local [hbm:s7], s21  }
0xa0: {  	_ =	swait.ge [sflag:s23], s21  }
0xa1: {  	s6 =	ssub.s32 $0x0, s21;
	[sflag:s23] =	ssyncset.done $0x0  }
0xa2: {  	[sflag:s23] =	ssyncadd.s32 s6;
	_ =	sdelay $0x1  }
0xa3: {  	s24 =	simm.s32 $0x1B8B  }
0xa4: {  	_ =	swait.ge [sflag:s24], $0x1  }
0xa5: {  	[sflag:s24] =	ssyncset.done $0x0  }
0xa6: {  	s25 =	simm.s32 $0x1B8E;
	[sflag:s24] =	ssyncadd.s32 $0xFFFFFFFF  }
0xa7: {  	s26 =	simm.s32 $execute0_lowered;
	[smem:$0x3FD2] =	sst s25  }
0xa8: {  	s6 =	sshll.u32 s26, $0x1;
	_ =	strace $0x80000046;
	[dreg:$0x1] =	wrdreg $0xFFFFFFFF  }
0xa9: {  	s28 =	simm.s32 $_size_execute0_lowered;
	s5 =	sadd.s32 s5, s6;
	[dreg:$0x0] =	wrdreg $0x0  }
0xaa: {  	s6 =	sshll.u32 s28, $0x1;
	[dreg:$0x2] =	wrdreg s5  }
0xab: {  	[dreg:$0x3] =	wrdreg s6  }
0xac: {  	[dreg:$0x4] =	wrdreg $0xC0  }
0xad: {  	_ =	task [dreg:s9], $0x5FFFF  }
0xae: {  	[dreg:$0x1] =	wrdreg $0xFFFFFFFF  }
0xaf: {  	[dreg:$0x0] =	wrdreg $0x60  }
0xb0: {  	[dreg:$0x2] =	wrdreg s2  }
0xb1: {  	[dreg:$0x3] =	wrdreg s19  }
0xb2: {  	[dreg:$0x4] =	wrdreg s4  }
0xb3: {  	[dreg:$0x5] =	wrdreg $0x9  }
0xb4: {  	_ =	task.clear_ibuf [dreg:s9], $0x6FFFF;
	_ =	strace $0x90000046  }
0xb5: {  	s29 =	simm.s32 $0x9;
	_ =	strace $0x80000048  }
0xb6: {  	_ =	swait.ge [sflag:s29], $0x1  }
0xb7: {  	[sflag:s29] =	ssyncadd.s32 $0xFFFFFFFF  }
0xb8: {  	_ =	strace $0x90000048  }
0xb9: {  	_ =	sfence  }
0xba: {  	s30 =	sld [smem:$0x0];
	_ =	sdelay $0x2  }
0xbb: {  	s31 =	sshll.u32 s1, $0xD;
	s1 =	sshrl.u32 s1, $0x2  }
0xbc: {  	s3 =	sand.u32 $0x4000, s31;
	s1 =	sadd.s32 s1, s30  }
0xbd: {  	s0 =	sor.u32 s3, s0;
	s1 =	sshll.u32 s1, $0x11  }
0xbe: {  	s0 =	sor.u32 s1, s0  }
0xbf: {  	s0 =	sadd.s32 $0x8F2B, s0  }
0xc0: {  	[sflag:s0] =	ssyncadd.remote.s32 $0x1  }
0xc1: {  	_ =	sfence.sel $0xFFFF  }
0xc2: {  	[dreg:$0x0] =	wrdreg $0xFFFFFFFF;
	(pc) =	sbr.abs _section_cstart, $3  }
0xc3: {  	[dreg:$0x1] =	wrdreg $0xFFFFFFFF  }
0xc4: {  	_ =	task.clear_ibuf [dreg:s9], $0x2FFFF;
	_ =	strace $0x9FFFFFFF  }
0xc5: {  	(tm) =	ssettm $0x7FFFFFFF  }
tec
execute0_lowered:
.L_overlay_start_1:
0x0: {  	(tag) =	ssettag $0x1  }
0x1: {  	s1 =	srdreg.scid  }
0x2: {  	s4 =	rddreg [dreg:$0x0];
	s0 =	stileid.u32;
	s26 =	sand.u32 $0x1, s1  }
0x3: {  	s3 =	rddreg [dreg:$0x1];
	s5 =	sshll.u32 s0, $0x8;
	s6 =	sshll.u32 s26, $0x7  }
0x4: {  	s9 =	rddreg [dreg:$0x2];
	s2 =	simm.s32 $0x0;
	s7 =	sor.u32 s6, s5  }
0x5: {  	[smem:$0x7FF] =	sst s2;
	s5 =	sshll.u32 s7, $0x5  }
0x6: {  	s1 =	rddreg [dreg:$0x3];
	_ =	strace $0x80000047;
	s3 =	sadd.s32 s3, s5  }
0x7: {  	[tilespmem:s2], [sflag:$0x1] =	stream.linear.gather [hbm4b:s3+s2], $0x8000, $0x38;
	[tilespmem:$0x18000] =	vst v63  }
0x8: {  	s8 =	simm.s32 $0x1;
	s6 =	simm.s32 $0x8000;
	s4 =	sadd.s32 s4, s5  }
0x9: {  	[tilespmem:s6], [sflag:$0x2] =	stream.linear.gather [hbm4b:s4+s2], $0x8000, $0x38;
	[tilespmem:$0x18000] =	vst v63  }
0xa: {  	s10 =	sshll.u32 s7, $0x6;
	s7 =	simm.s32 $0x10000;
	s5 =	sadd.s32 $0x20000, s4  }
0xb: {  	[tilespmem:s7], [sflag:$0x3] =	stream.linear.gather [hbm4b:s5+s2], $0x8000, $0x38;
	[tilespmem:$0x18000] =	vst v63  }
0xc: {  	_ =	swait.ge [sflag:s8], $0x8000  }
0xd: {  	s11 =	simm.s32 $0x800;
	s9 =	sadd.s32 s9, s10;
	[sflag:s8] =	ssyncset.done $0x0  }
0xe: {  	s12 =	simm.s32 $0x1000;
	s10 =	sadd.s32 $0x100, s9;
	[sflag:s8] =	ssyncadd.s32 $0xFFFF8000  }
0xf: {  	[hbm4b:s10+s11] =	stream.strided.scatter [tilespmem:s2], [sflag:$0x6], $0x8000, s12, s11, $0x38;
	[tilespmem:$0x18000] =	vst v63  }
0x10: {  	s13 =	sadd.s32 $0x40100, s9  }
0x11: {  	[hbm4b:s13+s11] =	stream.strided.scatter [tilespmem:s2], [sflag:$0x6], $0x8000, s12, s11, $0x38;
	[tilespmem:$0x18000] =	vst v63  }
0x12: {  	s14 =	sadd.s32 $0x80100, s9  }
0x13: {  	[hbm4b:s14+s11] =	stream.strided.scatter [tilespmem:s2], [sflag:$0x6], $0x8000, s12, s11, $0x38;
	[tilespmem:$0x18000] =	vst v63  }
0x14: {  	s16 =	simm.s32 $0x2;
	s15 =	sadd.s32 $0xC0100, s9  }
0x15: {  	[hbm4b:s15+s11] =	stream.strided.scatter [tilespmem:s2], [sflag:$0x6], $0x8000, s12, s11, $0x38;
	[tilespmem:$0x18000] =	vst v63  }
0x16: {  	_ =	swait.ge [sflag:s16], $0x8000  }
0x17: {  	[sflag:s16] =	ssyncset.done $0x0  }
0x18: {  	s17 =	simm.s32 $0x4;
	[sflag:s16] =	ssyncadd.s32 $0xFFFF8000  }
0x19: {  	[hbm4b:s9+s11] =	stream.strided.scatter [tilespmem:s6], [sflag:$0x4], $0x8000, s12, s11, $0x38;
	[tilespmem:$0x18000] =	vst v63  }
0x1a: {  	_ =	swait.ge [sflag:s17], $0x8000  }
0x1b: {  	[sflag:s17] =	ssyncset.done $0x0  }
0x1c: {  	s19 =	simm.s32 $0x3;
	s18 =	sadd.s32 $0x40000, s4;
	[sflag:s17] =	ssyncadd.s32 $0xFFFF8000  }
0x1d: {  	[tilespmem:s6], [sflag:$0x2] =	stream.linear.gather [hbm4b:s18+s2], $0x8000, $0x38;
	[tilespmem:$0x18000] =	vst v63  }
0x1e: {  	_ =	swait.ge [sflag:s19], $0x8000  }
0x1f: {  	[sflag:s19] =	ssyncset.done $0x0  }
0x20: {  	s21 =	simm.s32 $0x5;
	s20 =	sadd.s32 $0x40000, s9;
	[sflag:s19] =	ssyncadd.s32 $0xFFFF8000  }
0x21: {  	[hbm4b:s20+s11] =	stream.strided.scatter [tilespmem:s7], [sflag:$0x5], $0x8000, s12, s11, $0x38;
	[tilespmem:$0x18000] =	vst v63  }
0x22: {  	_ =	swait.ge [sflag:s21], $0x8000  }
0x23: {  	[sflag:s21] =	ssyncset.done $0x0  }
0x24: {  	s22 =	sadd.s32 $0x60000, s4;
	[sflag:s21] =	ssyncadd.s32 $0xFFFF8000  }
0x25: {  	[tilespmem:s7], [sflag:$0x3] =	stream.linear.gather [hbm4b:s22+s2], $0x8000, $0x38;
	[tilespmem:$0x18000] =	vst v63  }
0x26: {  	_ =	swait.ge [sflag:s16], $0x8000  }
0x27: {  	[sflag:s16] =	ssyncset.done $0x0  }
0x28: {  	s23 =	sadd.s32 $0x80000, s9;
	[sflag:s16] =	ssyncadd.s32 $0xFFFF8000  }
0x29: {  	[hbm4b:s23+s11] =	stream.strided.scatter [tilespmem:s6], [sflag:$0x4], $0x8000, s12, s11, $0x38;
	[tilespmem:$0x18000] =	vst v63  }
0x2a: {  	_ =	swait.ge [sflag:s19], $0x8000  }
0x2b: {  	[sflag:s19] =	ssyncset.done $0x0  }
0x2c: {  	s24 =	sadd.s32 $0xC0000, s9;
	[sflag:s19] =	ssyncadd.s32 $0xFFFF8000  }
0x2d: {  	[hbm4b:s24+s11] =	stream.strided.scatter [tilespmem:s7], [sflag:$0x5], $0x8000, s12, s11, $0x38;
	[tilespmem:$0x18000] =	vst v63  }
0x2e: {  	_ =	swait.ge [sflag:s17], $0x8000  }
0x2f: {  	[sflag:s17] =	ssyncset.done $0x0  }
0x30: {  	[sflag:s17] =	ssyncadd.s32 $0xFFFF8000  }
0x31: {  	_ =	swait.ge [sflag:s21], $0x8000  }
0x32: {  	[sflag:s21] =	ssyncset.done $0x0  }
0x33: {  	s25 =	simm.s32 $0x6;
	[sflag:s21] =	ssyncadd.s32 $0xFFFF8000  }
0x34: {  	_ =	swait.ge [sflag:s25], $0x8000  }
0x35: {  	s26 =	ssub.s32 $0x2, s26;
	[sflag:s25] =	ssyncset.done $0x0  }
0x36: {  	s28 =	sshrl.u32 s26, $0x1;
	[sflag:s25] =	ssyncadd.s32 $0xFFFF8000  }
0x37: {  	s26 =	ssub.s32 s26, s28;
	_ =	swait.ge [sflag:s25], $0x8000  }
0x38: {  	s26 =	smax.u32 s26, $0x1;
	[sflag:s25] =	ssyncset.done $0x0  }
0x39: {  	p0 =	sne.s32 s26, $0x1;
	[sflag:s25] =	ssyncadd.s32 $0xFFFF8000  }
.Ltmp0:
0x3a: {  	_ =	swait.ge [sflag:s25], $0x8000;
	(pc) =	sbr.rel @!p0 .LBB2_2-.Ltmp0, $4  }
0x3b: {  	[sflag:s25] =	ssyncset.done $0x0  }
0x3c: {  	[sflag:s25] =	ssyncadd.s32 $0xFFFF8000  }
0x3d: {  	_ =	swait.ge [sflag:s25], $0x8000  }
0x3e: {  	s26 =	sadd.s32 $0xFFFFFFFF, s26;
	[sflag:s25] =	ssyncset.done $0x0  }
.LBB2_1:
0x3f: {  	p0 =	sne.s32 s26, $0x1;
	s26 =	sadd.s32 $0xFFFFFFFF, s26;
	[sflag:s25] =	ssyncadd.s32 $0xFFFF8000  }
0x40: {  	[tilespmem:s2], [sflag:$0x1] =	stream.linear.gather [hbm4b:s3+s2], $0x8000, $0x38;
	[tilespmem:$0x18000] =	vst v63  }
0x41: {  	_ = 	snop  }
0x42: {  	[tilespmem:s6], [sflag:$0x2] =	stream.linear.gather [hbm4b:s4+s2], $0x8000, $0x38;
	[tilespmem:$0x18000] =	vst v63  }
0x43: {  	_ = 	snop  }
0x44: {  	[tilespmem:s7], [sflag:$0x3] =	stream.linear.gather [hbm4b:s5+s2], $0x8000, $0x38;
	[tilespmem:$0x18000] =	vst v63  }
0x45: {  	_ =	swait.ge [sflag:s8], $0x8000  }
0x46: {  	[sflag:s8] =	ssyncset.done $0x0  }
0x47: {  	[sflag:s8] =	ssyncadd.s32 $0xFFFF8000  }
0x48: {  	[hbm4b:s10+s11] =	stream.strided.scatter [tilespmem:s2], [sflag:$0x6], $0x8000, s12, s11, $0x38;
	[tilespmem:$0x18000] =	vst v63  }
0x49: {  	_ = 	snop  }
0x4a: {  	[hbm4b:s13+s11] =	stream.strided.scatter [tilespmem:s2], [sflag:$0x6], $0x8000, s12, s11, $0x38;
	[tilespmem:$0x18000] =	vst v63  }
0x4b: {  	_ = 	snop  }
0x4c: {  	[hbm4b:s14+s11] =	stream.strided.scatter [tilespmem:s2], [sflag:$0x6], $0x8000, s12, s11, $0x38;
	[tilespmem:$0x18000] =	vst v63  }
0x4d: {  	_ = 	snop  }
0x4e: {  	[hbm4b:s15+s11] =	stream.strided.scatter [tilespmem:s2], [sflag:$0x6], $0x8000, s12, s11, $0x38;
	[tilespmem:$0x18000] =	vst v63  }
0x4f: {  	_ =	swait.ge [sflag:s16], $0x8000  }
0x50: {  	[sflag:s16] =	ssyncset.done $0x0  }
0x51: {  	[sflag:s16] =	ssyncadd.s32 $0xFFFF8000  }
0x52: {  	[hbm4b:s9+s11] =	stream.strided.scatter [tilespmem:s6], [sflag:$0x4], $0x8000, s12, s11, $0x38;
	[tilespmem:$0x18000] =	vst v63  }
0x53: {  	_ =	swait.ge [sflag:s17], $0x8000  }
0x54: {  	[sflag:s17] =	ssyncset.done $0x0  }
0x55: {  	[sflag:s17] =	ssyncadd.s32 $0xFFFF8000  }
0x56: {  	[tilespmem:s6], [sflag:$0x2] =	stream.linear.gather [hbm4b:s18+s2], $0x8000, $0x38;
	[tilespmem:$0x18000] =	vst v63  }
0x57: {  	_ =	swait.ge [sflag:s19], $0x8000  }
0x58: {  	[sflag:s19] =	ssyncset.done $0x0  }
0x59: {  	[sflag:s19] =	ssyncadd.s32 $0xFFFF8000  }
0x5a: {  	[hbm4b:s20+s11] =	stream.strided.scatter [tilespmem:s7], [sflag:$0x5], $0x8000, s12, s11, $0x38;
	[tilespmem:$0x18000] =	vst v63  }
0x5b: {  	_ =	swait.ge [sflag:s21], $0x8000  }
0x5c: {  	[sflag:s21] =	ssyncset.done $0x0  }
0x5d: {  	[sflag:s21] =	ssyncadd.s32 $0xFFFF8000  }
0x5e: {  	[tilespmem:s7], [sflag:$0x3] =	stream.linear.gather [hbm4b:s22+s2], $0x8000, $0x38;
	[tilespmem:$0x18000] =	vst v63  }
0x5f: {  	_ =	swait.ge [sflag:s16], $0x8000  }
0x60: {  	[sflag:s16] =	ssyncset.done $0x0  }
0x61: {  	[sflag:s16] =	ssyncadd.s32 $0xFFFF8000  }
0x62: {  	[hbm4b:s23+s11] =	stream.strided.scatter [tilespmem:s6], [sflag:$0x4], $0x8000, s12, s11, $0x38;
	[tilespmem:$0x18000] =	vst v63  }
0x63: {  	_ =	swait.ge [sflag:s19], $0x8000  }
0x64: {  	[sflag:s19] =	ssyncset.done $0x0  }
0x65: {  	[sflag:s19] =	ssyncadd.s32 $0xFFFF8000  }
0x66: {  	[hbm4b:s24+s11] =	stream.strided.scatter [tilespmem:s7], [sflag:$0x5], $0x8000, s12, s11, $0x38;
	[tilespmem:$0x18000] =	vst v63  }
0x67: {  	_ =	swait.ge [sflag:s17], $0x8000  }
0x68: {  	[sflag:s17] =	ssyncset.done $0x0  }
0x69: {  	[sflag:s17] =	ssyncadd.s32 $0xFFFF8000  }
0x6a: {  	_ =	swait.ge [sflag:s21], $0x8000  }
0x6b: {  	[sflag:s21] =	ssyncset.done $0x0  }
0x6c: {  	[sflag:s21] =	ssyncadd.s32 $0xFFFF8000  }
0x6d: {  	_ =	swait.ge [sflag:s25], $0x8000  }
0x6e: {  	[sflag:s25] =	ssyncset.done $0x0  }
0x6f: {  	[sflag:s25] =	ssyncadd.s32 $0xFFFF8000  }
0x70: {  	_ =	swait.ge [sflag:s25], $0x8000  }
0x71: {  	[sflag:s25] =	ssyncset.done $0x0  }
0x72: {  	[sflag:s25] =	ssyncadd.s32 $0xFFFF8000  }
.Ltmp1:
0x73: {  	_ =	swait.ge [sflag:s25], $0x8000;
	(pc) =	sbr.rel @p0 .LBB2_1-.Ltmp1, $4  }
0x74: {  	[sflag:s25] =	ssyncset.done $0x0  }
0x75: {  	[sflag:s25] =	ssyncadd.s32 $0xFFFF8000  }
0x76: {  	_ =	swait.ge [sflag:s25], $0x8000  }
0x77: {  	[sflag:s25] =	ssyncset.done $0x0  }
.LBB2_2:
0x78: {  	[sflag:s25] =	ssyncadd.s32 $0xFFFF8000  }
0x79: {  	_ =	sfence.sel $0x180000  }
0x7a: {  	[bflag:$0x0] =	sbarrier.arrive $0xFFFF  }
0x7b: {  	p0 =	sne.s32 s0, $0x0;
	_ =	strace $0x90000047  }
0x7c: {  	s0 =	sadd.s32 @!p0 $0x100000, s1;
	[bflag:$0x2] =	sbarrier.arrive $0xFFFF  }
0x7d: {  	[sflag:s0] =	ssyncadd.tile.s32 @!p0 $0x1;
	_ =	shalt  }
.Lfunc_end2:
_tile_overlayer_lowered:
.L_overlay_start_2:
0x7e: {  	(tag) =	ssettag $0x2  }
0x7f: {  	s0 =	rddreg [dreg:$0x0];
	s2 =	stileid.u32  }
0x80: {  	s1 =	rddreg [dreg:$0x1];
	p0 =	sne.s32 s2, $0x0  }
0x81: {  	s3 =	rddreg [dreg:$0x2];
	[bflag:$0x3] =	sbarrier.arrive $0xFFFF;
	s2 =	simm.s32 @!p0 $0x1C07  }
0x82: {  	[timem:s3], [sflag:s2] =	dma.local @!p0 [hbm:s0], s1  }
0x83: {  	s0 =	simm.s32 @!p0 $0x7  }
0x84: {  	_ =	swait.ge @!p0 [sflag:s0], s1  }
0x85: {  	s1 =	ssub.s32 @!p0 $0x0, s1;
	[sflag:s0] =	ssyncset.done @!p0 $0x0  }
0x86: {  	[sflag:s0] =	ssyncadd.s32 @!p0 s1  }
0x87: {  	[bflag:$0x3] =	sbarrier.arrive $0xFFFF  }
0x88: {  	_ =	shalt  }

</sc_bundles>
